<compile_context>
chip_gen: v7x
topology: tpu7x:2x2x1
jax: 0.10.2.dev20260603
libtpu: 0.0.44.dev20260713+nightly
codegen_flags: <defaults>
</compile_context>

<pallas_src>
import jax
import jax.numpy as jnp
from jax import lax
from jax.experimental import pallas as pl

N_TOP = 5000
NP = 5120
B = 512
NB = NP // B
IOU_THR = 0.7


def _decode_cols(raw):
    cx = raw[:, 0:1] * 1000.0
    cy = raw[:, 1:2] * 1000.0
    w = raw[:, 2:3] * 200.0 + 1.0
    h = raw[:, 3:4] * 200.0 + 1.0
    x1 = cx - 0.5 * w
    y1 = cy - 0.5 * h
    x2 = cx + 0.5 * w
    y2 = cy + 0.5 * h
    return x1, y1, x2, y2, (x2 - x1) * (y2 - y1)


def _decode_rows(rawt):
    cx = rawt[0:1, :] * 1000.0
    cy = rawt[1:2, :] * 1000.0
    w = rawt[2:3, :] * 200.0 + 1.0
    h = rawt[3:4, :] * 200.0 + 1.0
    x1 = cx - 0.5 * w
    y1 = cy - 0.5 * h
    x2 = cx + 0.5 * w
    y2 = cy + 0.5 * h
    return x1, y1, x2, y2, (x2 - x1) * (y2 - y1)


def _nms_kernel(raw_ref, rawt_ref, sc_ref, out_ref):
    x1c, y1c, x2c, y2c, ac = _decode_cols(raw_ref[...])
    x1r, y1r, x2r, y2r, ar = _decode_rows(rawt_ref[...])

    ii = lax.broadcasted_iota(jnp.int32, (B, B), 0)
    jj = lax.broadcasted_iota(jnp.int32, (B, B), 1)
    low = (jj < ii).astype(jnp.float32)
    up = (ii < jj).astype(jnp.float32)
    eye = (ii == jj).astype(jnp.float32)

    keep = jnp.ones((1, NP), jnp.float32)

    def _iou(x1b, y1b, x2b, y2b, ab, lo, hi):
        ix1 = jnp.maximum(x1b, x1r[:, lo:hi])
        iy1 = jnp.maximum(y1b, y1r[:, lo:hi])
        ix2 = jnp.minimum(x2b, x2r[:, lo:hi])
        iy2 = jnp.minimum(y2b, y2r[:, lo:hi])
        iw = jnp.maximum(ix2 - ix1, 0.0)
        ih = jnp.maximum(iy2 - iy1, 0.0)
        inter = iw * ih
        union = ab + ar[:, lo:hi] - inter
        return inter / union

    for b in range(NB):
        s = b * B
        e = s + B
        x1b, y1b, x2b, y2b, ab = (v[s:e, :] for v in (x1c, y1c, x2c, y2c, ac))

        M = (_iou(x1b, y1b, x2b, y2b, ab, s, e) > IOU_THR).astype(jnp.float32)
        Mlow = M * low
        Mup = M * up
        kin_row = keep[:, s:e]
        kin_col = jnp.max(eye * kin_row, axis=1, keepdims=True)

        sup_col = jnp.max(Mlow * kin_row, axis=1, keepdims=True)
        sup_row = jnp.max(Mup * kin_col, axis=0, keepdims=True)
        k_col = kin_col * (1.0 - sup_col)
        k_row = kin_row * (1.0 - sup_row)
        changed = jnp.any(k_row != kin_row)

        def fp_cond(c):
            return c[2]

        def fp_body(c, Mlow=Mlow, Mup=Mup, kin_row=kin_row, kin_col=kin_col):
            k_row, k_col, _ = c
            sup_col = jnp.max(Mlow * k_row, axis=1, keepdims=True)
            sup_row = jnp.max(Mup * k_col, axis=0, keepdims=True)
            nk_col = kin_col * (1.0 - sup_col)
            nk_row = kin_row * (1.0 - sup_row)
            return (nk_row, nk_col, jnp.any(nk_row != k_row))

        k_row, k_col, _ = lax.while_loop(
            fp_cond, fp_body, (k_row, k_col, changed))

        pieces = [keep[:, :s], k_row]
        if e < NP:
            kc = k_col > 0.0
            xs1 = jnp.where(kc, x1b, 4e9)
            ys1 = jnp.where(kc, y1b, 4e9)
            xs2 = jnp.where(kc, x2b, -4e9)
            ys2 = jnp.where(kc, y2b, -4e9)
            abm = jnp.where(kc, ab, 1.0)
            sup = jnp.max(_iou(xs1, ys1, xs2, ys2, abm, e, NP),
                          axis=0, keepdims=True)
            pieces.append(jnp.where(sup > IOU_THR, 0.0, keep[:, e:]))
        keep = jnp.concatenate(pieces, axis=1) if b else (
            jnp.concatenate(pieces[1:], axis=1))

    out_ref[0:1, :] = x1r * keep
    out_ref[1:2, :] = y1r * keep
    out_ref[2:3, :] = x2r * keep
    out_ref[3:4, :] = y2r * keep
    out_ref[4:5, :] = sc_ref[...] * keep
    out_ref[5:8, :] = jnp.zeros((3, NP), jnp.float32)


def kernel(boxes, scores):
    top_scores, idx = lax.top_k(scores, N_TOP)
    raw = jnp.take(boxes, idx, axis=0)
    rawp = jnp.pad(raw, ((0, NP - N_TOP), (0, 0)))
    scp = jnp.pad(top_scores, (0, NP - N_TOP))[None, :]
    out_t = pl.pallas_call(
        _nms_kernel,
        out_shape=jax.ShapeDtypeStruct((8, NP), jnp.float32),
    )(rawp, rawp.T, scp)
    return out_t[:5].T[:N_TOP, :]

# --- scband reference (transcript-rebuilt; emitter-appended) ---
"""Pipeline reference for scband-detection-model-16999480557960 (READ-ONLY COPY).

The authoritative reference and input builder live on the scoring server;
editing this copy changes nothing except your own understanding.
"""

import jax, jax.numpy as jnp
import numpy as np

N = 20000
TOP_N = 5000
IOU_THRESHOLD = 0.7

def _decode(raw):
    cx = raw[:, 0] * 1000.0
    cy = raw[:, 1] * 1000.0
    w = raw[:, 2] * 200.0 + 1.0
    h = raw[:, 3] * 200.0 + 1.0
    x1 = cx - 0.5 * w
    y1 = cy - 0.5 * h
    x2 = cx + 0.5 * w
    y2 = cy + 0.5 * h
    return jnp.stack([x1, y1, x2, y2], axis=1)

def _pairwise_iou(b):
    x1 = b[:, 0]; y1 = b[:, 1]; x2 = b[:, 2]; y2 = b[:, 3]
    area = (x2 - x1) * (y2 - y1)
    ix1 = jnp.maximum(x1[:, None], x1[None, :])
    iy1 = jnp.maximum(y1[:, None], y1[None, :])
    ix2 = jnp.minimum(x2[:, None], x2[None, :])
    iy2 = jnp.minimum(y2[:, None], y2[None, :])
    iw = jnp.maximum(ix2 - ix1, 0.0)
    ih = jnp.maximum(iy2 - iy1, 0.0)
    inter = iw * ih
    union = area[:, None] + area[None, :] - inter
    return inter / (union + 1e-8)

def setup_inputs(seed: int = 0):
    key = jax.random.key(seed)
    k1, k2 = jax.random.split(key)
    boxes = jax.random.uniform(k1, (N, 4), dtype=jnp.float32)
    scores = jax.random.uniform(k2, (N,), dtype=jnp.float32)
    return {"boxes": boxes, "scores": scores}

def reference(boxes, scores):
    dec = _decode(boxes)
    top_scores, idx = jax.lax.top_k(scores, TOP_N)
    tb = jnp.take(dec, idx, axis=0)
    iou = _pairwise_iou(tb)
    pos = jnp.arange(TOP_N)

    def body(i, keep):
        row = iou[i]
        suppress = keep[i] & (row > IOU_THRESHOLD) & (pos > i)
        return keep & (~suppress)

    keep = jax.lax.fori_loop(0, TOP_N, body, jnp.ones((TOP_N,), dtype=bool))
    keep_f = keep.astype(jnp.float32)
    out_boxes = tb * keep_f[:, None]
    out_scores = top_scores * keep_f
    return jnp.concatenate([out_boxes, out_scores[:, None]], axis=1)

if __name__ == "__main__":
    import jax
    _d = setup_inputs()
    print(jax.jit(kernel)(*tuple(_d.values())))

</pallas_src>

<mosaic_0001>
module attributes {stable_mosaic.version = 14 : i64} {
  func.func @_nms_kernel(%arg0: memref<5120x4xf32, #tpu.memory_space<vmem>>, %arg1: memref<4x5120xf32, #tpu.memory_space<vmem>>, %arg2: memref<1x5120xf32, #tpu.memory_space<vmem>>, %arg3: memref<8x5120xf32, #tpu.memory_space<vmem>>) attributes {dimension_semantics = [], scalar_prefetch = 0 : i64, scratch_operands = 0 : i64, tpu.core_type = #tpu.core_type<tc>} {
    %get3A = arith.constant 0 : index
    %get3A_0 = arith.constant 0 : index
    %get3A_1 = vector.load %arg0[%get3A, %get3A_0] : memref<5120x4xf32, #tpu.memory_space<vmem>>, vector<5120x4xf32>
    %slice3A = vector.extract_strided_slice %get3A_1 {offsets = [0, 0], sizes = [5120, 1], strides = [1, 1]} : vector<5120x4xf32> to vector<5120x1xf32>
    %mul3A = arith.constant 1.000000e+03 : f32
    %mul3A_2 = vector.broadcast %mul3A : f32 to vector<5120x1xf32>
    %mul3A_3 = arith.mulf %slice3A, %mul3A_2 : vector<5120x1xf32>
    %slice3A_4 = vector.extract_strided_slice %get3A_1 {offsets = [0, 1], sizes = [5120, 1], strides = [1, 1]} : vector<5120x4xf32> to vector<5120x1xf32>
    %mul3A_5 = arith.constant 1.000000e+03 : f32
    %mul3A_6 = vector.broadcast %mul3A_5 : f32 to vector<5120x1xf32>
    %mul3A_7 = arith.mulf %slice3A_4, %mul3A_6 : vector<5120x1xf32>
    %slice3A_8 = vector.extract_strided_slice %get3A_1 {offsets = [0, 2], sizes = [5120, 1], strides = [1, 1]} : vector<5120x4xf32> to vector<5120x1xf32>
    %mul3A_9 = arith.constant 2.000000e+02 : f32
    %mul3A_10 = vector.broadcast %mul3A_9 : f32 to vector<5120x1xf32>
    %mul3A_11 = arith.mulf %slice3A_8, %mul3A_10 : vector<5120x1xf32>
    %add3A = arith.constant 1.000000e+00 : f32
    %add3A_12 = vector.broadcast %add3A : f32 to vector<5120x1xf32>
    %add3A_13 = arith.addf %mul3A_11, %add3A_12 : vector<5120x1xf32>
    %slice3A_14 = vector.extract_strided_slice %get3A_1 {offsets = [0, 3], sizes = [5120, 1], strides = [1, 1]} : vector<5120x4xf32> to vector<5120x1xf32>
    %mul3A_15 = arith.constant 2.000000e+02 : f32
    %mul3A_16 = vector.broadcast %mul3A_15 : f32 to vector<5120x1xf32>
    %mul3A_17 = arith.mulf %slice3A_14, %mul3A_16 : vector<5120x1xf32>
    %add3A_18 = arith.constant 1.000000e+00 : f32
    %add3A_19 = vector.broadcast %add3A_18 : f32 to vector<5120x1xf32>
    %add3A_20 = arith.addf %mul3A_17, %add3A_19 : vector<5120x1xf32>
    %mul3A_21 = arith.constant 5.000000e-01 : f32
    %mul3A_22 = vector.broadcast %mul3A_21 : f32 to vector<5120x1xf32>
    %mul3A_23 = arith.mulf %mul3A_22, %add3A_13 : vector<5120x1xf32>
    %sub3A = arith.subf %mul3A_3, %mul3A_23 : vector<5120x1xf32>
    %mul3A_24 = arith.constant 5.000000e-01 : f32
    %mul3A_25 = vector.broadcast %mul3A_24 : f32 to vector<5120x1xf32>
    %mul3A_26 = arith.mulf %mul3A_25, %add3A_20 : vector<5120x1xf32>
    %sub3A_27 = arith.subf %mul3A_7, %mul3A_26 : vector<5120x1xf32>
    %mul3A_28 = arith.constant 5.000000e-01 : f32
    %mul3A_29 = vector.broadcast %mul3A_28 : f32 to vector<5120x1xf32>
    %mul3A_30 = arith.mulf %mul3A_29, %add3A_13 : vector<5120x1xf32>
    %add3A_31 = arith.addf %mul3A_3, %mul3A_30 : vector<5120x1xf32>
    %mul3A_32 = arith.constant 5.000000e-01 : f32
    %mul3A_33 = vector.broadcast %mul3A_32 : f32 to vector<5120x1xf32>
    %mul3A_34 = arith.mulf %mul3A_33, %add3A_20 : vector<5120x1xf32>
    %add3A_35 = arith.addf %mul3A_7, %mul3A_34 : vector<5120x1xf32>
    %sub3A_36 = arith.subf %add3A_31, %sub3A : vector<5120x1xf32>
    %sub3A_37 = arith.subf %add3A_35, %sub3A_27 : vector<5120x1xf32>
    %mul3A_38 = arith.mulf %sub3A_36, %sub3A_37 : vector<5120x1xf32>
    %get3A_39 = arith.constant 0 : index
    %get3A_40 = arith.constant 0 : index
    %get3A_41 = vector.load %arg1[%get3A_39, %get3A_40] : memref<4x5120xf32, #tpu.memory_space<vmem>>, vector<4x5120xf32>
    %slice3A_42 = vector.extract_strided_slice %get3A_41 {offsets = [0, 0], sizes = [1, 5120], strides = [1, 1]} : vector<4x5120xf32> to vector<1x5120xf32>
    %mul3A_43 = arith.constant 1.000000e+03 : f32
    %mul3A_44 = vector.broadcast %mul3A_43 : f32 to vector<1x5120xf32>
    %mul3A_45 = arith.mulf %slice3A_42, %mul3A_44 : vector<1x5120xf32>
    %slice3A_46 = vector.extract_strided_slice %get3A_41 {offsets = [1, 0], sizes = [1, 5120], strides = [1, 1]} : vector<4x5120xf32> to vector<1x5120xf32>
    %mul3A_47 = arith.constant 1.000000e+03 : f32
    %mul3A_48 = vector.broadcast %mul3A_47 : f32 to vector<1x5120xf32>
    %mul3A_49 = arith.mulf %slice3A_46, %mul3A_48 : vector<1x5120xf32>
    %slice3A_50 = vector.extract_strided_slice %get3A_41 {offsets = [2, 0], sizes = [1, 5120], strides = [1, 1]} : vector<4x5120xf32> to vector<1x5120xf32>
    %mul3A_51 = arith.constant 2.000000e+02 : f32
    %mul3A_52 = vector.broadcast %mul3A_51 : f32 to vector<1x5120xf32>
    %mul3A_53 = arith.mulf %slice3A_50, %mul3A_52 : vector<1x5120xf32>
    %add3A_54 = arith.constant 1.000000e+00 : f32
    %add3A_55 = vector.broadcast %add3A_54 : f32 to vector<1x5120xf32>
    %add3A_56 = arith.addf %mul3A_53, %add3A_55 : vector<1x5120xf32>
    %slice3A_57 = vector.extract_strided_slice %get3A_41 {offsets = [3, 0], sizes = [1, 5120], strides = [1, 1]} : vector<4x5120xf32> to vector<1x5120xf32>
    %mul3A_58 = arith.constant 2.000000e+02 : f32
    %mul3A_59 = vector.broadcast %mul3A_58 : f32 to vector<1x5120xf32>
    %mul3A_60 = arith.mulf %slice3A_57, %mul3A_59 : vector<1x5120xf32>
    %add3A_61 = arith.constant 1.000000e+00 : f32
    %add3A_62 = vector.broadcast %add3A_61 : f32 to vector<1x5120xf32>
    %add3A_63 = arith.addf %mul3A_60, %add3A_62 : vector<1x5120xf32>
    %mul3A_64 = arith.constant 5.000000e-01 : f32
    %mul3A_65 = vector.broadcast %mul3A_64 : f32 to vector<1x5120xf32>
    %mul3A_66 = arith.mulf %mul3A_65, %add3A_56 : vector<1x5120xf32>
    %sub3A_67 = arith.subf %mul3A_45, %mul3A_66 : vector<1x5120xf32>
    %mul3A_68 = arith.constant 5.000000e-01 : f32
    %mul3A_69 = vector.broadcast %mul3A_68 : f32 to vector<1x5120xf32>
    %mul3A_70 = arith.mulf %mul3A_69, %add3A_63 : vector<1x5120xf32>
    %sub3A_71 = arith.subf %mul3A_49, %mul3A_70 : vector<1x5120xf32>
    %mul3A_72 = arith.constant 5.000000e-01 : f32
    %mul3A_73 = vector.broadcast %mul3A_72 : f32 to vector<1x5120xf32>
    %mul3A_74 = arith.mulf %mul3A_73, %add3A_56 : vector<1x5120xf32>
    %add3A_75 = arith.addf %mul3A_45, %mul3A_74 : vector<1x5120xf32>
    %mul3A_76 = arith.constant 5.000000e-01 : f32
    %mul3A_77 = vector.broadcast %mul3A_76 : f32 to vector<1x5120xf32>
    %mul3A_78 = arith.mulf %mul3A_77, %add3A_63 : vector<1x5120xf32>
    %add3A_79 = arith.addf %mul3A_49, %mul3A_78 : vector<1x5120xf32>
    %sub3A_80 = arith.subf %add3A_75, %sub3A_67 : vector<1x5120xf32>
    %sub3A_81 = arith.subf %add3A_79, %sub3A_71 : vector<1x5120xf32>
    %mul3A_82 = arith.mulf %sub3A_80, %sub3A_81 : vector<1x5120xf32>
    %iota3A = tpu.iota {dimensions = array<i32: 0>} : vector<512x512xi32>
    %iota3A_83 = tpu.iota {dimensions = array<i32: 1>} : vector<512x512xi32>
    %lt3A = arith.cmpi slt, %iota3A_83, %iota3A : vector<512x512xi32>
    %convert_element_type3A = arith.extui %lt3A : vector<512x512xi1> to vector<512x512xi32>
    %convert_element_type3A_84 = arith.sitofp %convert_element_type3A : vector<512x512xi32> to vector<512x512xf32>
    %lt3A_85 = arith.cmpi slt, %iota3A, %iota3A_83 : vector<512x512xi32>
    %convert_element_type3A_86 = arith.extui %lt3A_85 : vector<512x512xi1> to vector<512x512xi32>
    %convert_element_type3A_87 = arith.sitofp %convert_element_type3A_86 : vector<512x512xi32> to vector<512x512xf32>
    %eq3A = arith.cmpi eq, %iota3A, %iota3A_83 : vector<512x512xi32>
    %convert_element_type3A_88 = arith.extui %eq3A : vector<512x512xi1> to vector<512x512xi32>
    %convert_element_type3A_89 = arith.sitofp %convert_element_type3A_88 : vector<512x512xi32> to vector<512x512xf32>
    %broadcast_in_dim3A = arith.constant 1.000000e+00 : f32
    %broadcast_in_dim3A_90 = vector.broadcast %broadcast_in_dim3A : f32 to vector<1x5120xf32>
    %slice3A_91 = vector.extract_strided_slice %sub3A {offsets = [0, 0], sizes = [512, 1], strides = [1, 1]} : vector<5120x1xf32> to vector<512x1xf32>
    %slice3A_92 = vector.extract_strided_slice %sub3A_27 {offsets = [0, 0], sizes = [512, 1], strides = [1, 1]} : vector<5120x1xf32> to vector<512x1xf32>
    %slice3A_93 = vector.extract_strided_slice %add3A_31 {offsets = [0, 0], sizes = [512, 1], strides = [1, 1]} : vector<5120x1xf32> to vector<512x1xf32>
    %slice3A_94 = vector.extract_strided_slice %add3A_35 {offsets = [0, 0], sizes = [512, 1], strides = [1, 1]} : vector<5120x1xf32> to vector<512x1xf32>
    %slice3A_95 = vector.extract_strided_slice %mul3A_38 {offsets = [0, 0], sizes = [512, 1], strides = [1, 1]} : vector<5120x1xf32> to vector<512x1xf32>
    %slice3A_96 = vector.extract_strided_slice %sub3A_67 {offsets = [0, 0], sizes = [1, 512], strides = [1, 1]} : vector<1x5120xf32> to vector<1x512xf32>
    %max3A = vector.broadcast %slice3A_91 : vector<512x1xf32> to vector<512x512xf32>
    %max3A_97 = vector.broadcast %slice3A_96 : vector<1x512xf32> to vector<512x512xf32>
    %max3A_98 = arith.maximumf %max3A, %max3A_97 : vector<512x512xf32>
    %slice3A_99 = vector.extract_strided_slice %sub3A_71 {offsets = [0, 0], sizes = [1, 512], strides = [1, 1]} : vector<1x5120xf32> to vector<1x512xf32>
    %max3A_100 = vector.broadcast %slice3A_92 : vector<512x1xf32> to vector<512x512xf32>
    %max3A_101 = vector.broadcast %slice3A_99 : vector<1x512xf32> to vector<512x512xf32>
    %max3A_102 = arith.maximumf %max3A_100, %max3A_101 : vector<512x512xf32>
    %slice3A_103 = vector.extract_strided_slice %add3A_75 {offsets = [0, 0], sizes = [1, 512], strides = [1, 1]} : vector<1x5120xf32> to vector<1x512xf32>
    %min3A = vector.broadcast %slice3A_93 : vector<512x1xf32> to vector<512x512xf32>
    %min3A_104 = vector.broadcast %slice3A_103 : vector<1x512xf32> to vector<512x512xf32>
    %min3A_105 = arith.minimumf %min3A, %min3A_104 : vector<512x512xf32>
    %slice3A_106 = vector.extract_strided_slice %add3A_79 {offsets = [0, 0], sizes = [1, 512], strides = [1, 1]} : vector<1x5120xf32> to vector<1x512xf32>
    %min3A_107 = vector.broadcast %slice3A_94 : vector<512x1xf32> to vector<512x512xf32>
    %min3A_108 = vector.broadcast %slice3A_106 : vector<1x512xf32> to vector<512x512xf32>
    %min3A_109 = arith.minimumf %min3A_107, %min3A_108 : vector<512x512xf32>
    %sub3A_110 = arith.subf %min3A_105, %max3A_98 : vector<512x512xf32>
    %max3A_111 = arith.constant 0.000000e+00 : f32
    %max3A_112 = vector.broadcast %max3A_111 : f32 to vector<512x512xf32>
    %max3A_113 = arith.maximumf %sub3A_110, %max3A_112 : vector<512x512xf32>
    %sub3A_114 = arith.subf %min3A_109, %max3A_102 : vector<512x512xf32>
    %max3A_115 = arith.constant 0.000000e+00 : f32
    %max3A_116 = vector.broadcast %max3A_115 : f32 to vector<512x512xf32>
    %max3A_117 = arith.maximumf %sub3A_114, %max3A_116 : vector<512x512xf32>
    %mul3A_118 = arith.mulf %max3A_113, %max3A_117 : vector<512x512xf32>
    %slice3A_119 = vector.extract_strided_slice %mul3A_82 {offsets = [0, 0], sizes = [1, 512], strides = [1, 1]} : vector<1x5120xf32> to vector<1x512xf32>
    %add3A_120 = vector.broadcast %slice3A_95 : vector<512x1xf32> to vector<512x512xf32>
    %add3A_121 = vector.broadcast %slice3A_119 : vector<1x512xf32> to vector<512x512xf32>
    %add3A_122 = arith.addf %add3A_120, %add3A_121 : vector<512x512xf32>
    %sub3A_123 = arith.subf %add3A_122, %mul3A_118 : vector<512x512xf32>
    %div3A = arith.divf %mul3A_118, %sub3A_123 : vector<512x512xf32>
    %gt3A = arith.constant 0.699999988 : f32
    %gt3A_124 = vector.broadcast %gt3A : f32 to vector<512x512xf32>
    %gt3A_125 = arith.cmpf ogt, %div3A, %gt3A_124 : vector<512x512xf32>
    %convert_element_type3A_126 = arith.extui %gt3A_125 : vector<512x512xi1> to vector<512x512xi32>
    %convert_element_type3A_127 = arith.sitofp %convert_element_type3A_126 : vector<512x512xi32> to vector<512x512xf32>
    %mul3A_128 = arith.mulf %convert_element_type3A_127, %convert_element_type3A_84 : vector<512x512xf32>
    %mul3A_129 = arith.mulf %convert_element_type3A_127, %convert_element_type3A_87 : vector<512x512xf32>
    %slice3A_130 = vector.extract_strided_slice %broadcast_in_dim3A_90 {offsets = [0, 0], sizes = [1, 512], strides = [1, 1]} : vector<1x5120xf32> to vector<1x512xf32>
    %mul3A_131 = vector.broadcast %slice3A_130 : vector<1x512xf32> to vector<512x512xf32>
    %mul3A_132 = arith.mulf %convert_element_type3A_89, %mul3A_131 : vector<512x512xf32>
    %reduce_max3A = arith.constant dense<0xFF800000> : vector<512xf32>
    %reduce_max3A_133 = vector.multi_reduction <maximumf>, %mul3A_132, %reduce_max3A [1] : vector<512x512xf32> to vector<512xf32>
    %broadcast_in_dim3A_134 = vector.shape_cast %reduce_max3A_133 : vector<512xf32> to vector<512x1xf32>
    %mul3A_135 = vector.broadcast %slice3A_130 : vector<1x512xf32> to vector<512x512xf32>
    %mul3A_136 = arith.mulf %mul3A_128, %mul3A_135 : vector<512x512xf32>
    %reduce_max3A_137 = arith.constant dense<0xFF800000> : vector<512xf32>
    %reduce_max3A_138 = vector.multi_reduction <maximumf>, %mul3A_136, %reduce_max3A_137 [1] : vector<512x512xf32> to vector<512xf32>
    %broadcast_in_dim3A_139 = vector.shape_cast %reduce_max3A_138 : vector<512xf32> to vector<512x1xf32>
    %mul3A_140 = vector.broadcast %broadcast_in_dim3A_134 : vector<512x1xf32> to vector<512x512xf32>
    %mul3A_141 = arith.mulf %mul3A_129, %mul3A_140 : vector<512x512xf32>
    %reduce_max3A_142 = arith.constant dense<0xFF800000> : vector<512xf32>
    %reduce_max3A_143 = vector.multi_reduction <maximumf>, %mul3A_141, %reduce_max3A_142 [0] : vector<512x512xf32> to vector<512xf32>
    %broadcast_in_dim3A_144 = vector.shape_cast %reduce_max3A_143 : vector<512xf32> to vector<1x512xf32>
    %sub3A_145 = arith.constant 1.000000e+00 : f32
    %sub3A_146 = vector.broadcast %sub3A_145 : f32 to vector<512x1xf32>
    %sub3A_147 = arith.subf %sub3A_146, %broadcast_in_dim3A_139 : vector<512x1xf32>
    %mul3A_148 = arith.mulf %broadcast_in_dim3A_134, %sub3A_147 : vector<512x1xf32>
    %sub3A_149 = arith.constant 1.000000e+00 : f32
    %sub3A_150 = vector.broadcast %sub3A_149 : f32 to vector<1x512xf32>
    %sub3A_151 = arith.subf %sub3A_150, %broadcast_in_dim3A_144 : vector<1x512xf32>
    %mul3A_152 = arith.mulf %slice3A_130, %sub3A_151 : vector<1x512xf32>
    %ne3A = arith.cmpf one, %mul3A_152, %slice3A_130 : vector<1x512xf32>
    %reduce_or3A = arith.constant 1.000000e+00 : f32
    %reduce_or3A_153 = arith.constant 0.000000e+00 : f32
    %reduce_or3A_154 = vector.broadcast %reduce_or3A : f32 to vector<1x512xf32>
    %reduce_or3A_155 = vector.broadcast %reduce_or3A_153 : f32 to vector<1x512xf32>
    %reduce_or3A_156 = arith.select %ne3A, %reduce_or3A_154, %reduce_or3A_155 : vector<1x512xi1>, vector<1x512xf32>
    %reduce_or3A_157 = vector.shape_cast %reduce_or3A_156 : vector<1x512xf32> to vector<1x1x512xf32>
    %reduce_or3A_158 = arith.constant dense<0xFF800000> : vector<1xf32>
    %reduce_or3A_159 = vector.multi_reduction <maximumf>, %reduce_or3A_157, %reduce_or3A_158 [1, 2] : vector<1x1x512xf32> to vector<1xf32>
    %reduce_or3A_160 = vector.shape_cast %reduce_or3A_159 : vector<1xf32> to vector<1x1x1xf32>
    %reduce_or3A_161 = vector.extract %reduce_or3A_160[0, 0, 0] : f32 from vector<1x1x1xf32>
    %reduce_or3A_162 = arith.constant 0.000000e+00 : f32
    %reduce_or3A_163 = arith.cmpf ogt, %reduce_or3A_161, %reduce_or3A_162 : f32
    %while3A:3 = scf.while (%while3A_1467 = %mul3A_152, %while3A_1468 = %mul3A_148, %while3A_1469 = %reduce_or3A_163) : (vector<1x512xf32>, vector<512x1xf32>, i1) -> (vector<1x512xf32>, vector<512x1xf32>, i1) {
      scf.condition(%while3A_1469) %while3A_1467, %while3A_1468, %while3A_1469 : vector<1x512xf32>, vector<512x1xf32>, i1
    } do {
    ^bb0(%while3A_1467: vector<1x512xf32>, %while3A_1468: vector<512x1xf32>, %while3A_1469: i1):
      %mul3A_1470 = vector.broadcast %while3A_1467 : vector<1x512xf32> to vector<512x512xf32>
      %mul3A_1471 = arith.mulf %mul3A_128, %mul3A_1470 : vector<512x512xf32>
      %reduce_max3A_1472 = arith.constant dense<0xFF800000> : vector<512xf32>
      %reduce_max3A_1473 = vector.multi_reduction <maximumf>, %mul3A_1471, %reduce_max3A_1472 [1] : vector<512x512xf32> to vector<512xf32>
      %broadcast_in_dim3A_1474 = vector.shape_cast %reduce_max3A_1473 : vector<512xf32> to vector<512x1xf32>
      %mul3A_1475 = vector.broadcast %while3A_1468 : vector<512x1xf32> to vector<512x512xf32>
      %mul3A_1476 = arith.mulf %mul3A_129, %mul3A_1475 : vector<512x512xf32>
      %reduce_max3A_1477 = arith.constant dense<0xFF800000> : vector<512xf32>
      %reduce_max3A_1478 = vector.multi_reduction <maximumf>, %mul3A_1476, %reduce_max3A_1477 [0] : vector<512x512xf32> to vector<512xf32>
      %broadcast_in_dim3A_1479 = vector.shape_cast %reduce_max3A_1478 : vector<512xf32> to vector<1x512xf32>
      %sub3A_1480 = arith.constant 1.000000e+00 : f32
      %sub3A_1481 = vector.broadcast %sub3A_1480 : f32 to vector<512x1xf32>
      %sub3A_1482 = arith.subf %sub3A_1481, %broadcast_in_dim3A_1474 : vector<512x1xf32>
      %mul3A_1483 = arith.mulf %broadcast_in_dim3A_134, %sub3A_1482 : vector<512x1xf32>
      %sub3A_1484 = arith.constant 1.000000e+00 : f32
      %sub3A_1485 = vector.broadcast %sub3A_1484 : f32 to vector<1x512xf32>
      %sub3A_1486 = arith.subf %sub3A_1485, %broadcast_in_dim3A_1479 : vector<1x512xf32>
      %mul3A_1487 = arith.mulf %slice3A_130, %sub3A_1486 : vector<1x512xf32>
      %ne3A_1488 = arith.cmpf one, %mul3A_1487, %while3A_1467 : vector<1x512xf32>
      %reduce_or3A_1489 = arith.constant 1.000000e+00 : f32
      %reduce_or3A_1490 = arith.constant 0.000000e+00 : f32
      %reduce_or3A_1491 = vector.broadcast %reduce_or3A_1489 : f32 to vector<1x512xf32>
      %reduce_or3A_1492 = vector.broadcast %reduce_or3A_1490 : f32 to vector<1x512xf32>
      %reduce_or3A_1493 = arith.select %ne3A_1488, %reduce_or3A_1491, %reduce_or3A_1492 : vector<1x512xi1>, vector<1x512xf32>
      %reduce_or3A_1494 = vector.shape_cast %reduce_or3A_1493 : vector<1x512xf32> to vector<1x1x512xf32>
      %reduce_or3A_1495 = arith.constant dense<0xFF800000> : vector<1xf32>
      %reduce_or3A_1496 = vector.multi_reduction <maximumf>, %reduce_or3A_1494, %reduce_or3A_1495 [1, 2] : vector<1x1x512xf32> to vector<1xf32>
      %reduce_or3A_1497 = vector.shape_cast %reduce_or3A_1496 : vector<1xf32> to vector<1x1x1xf32>
      %reduce_or3A_1498 = vector.extract %reduce_or3A_1497[0, 0, 0] : f32 from vector<1x1x1xf32>
      %reduce_or3A_1499 = arith.constant 0.000000e+00 : f32
      %reduce_or3A_1500 = arith.cmpf ogt, %reduce_or3A_1498, %reduce_or3A_1499 : f32
      scf.yield %mul3A_1487, %mul3A_1483, %reduce_or3A_1500 : vector<1x512xf32>, vector<512x1xf32>, i1
    }
    %gt3A_164 = arith.constant 0.000000e+00 : f32
    %gt3A_165 = vector.broadcast %gt3A_164 : f32 to vector<512x1xf32>
    %gt3A_166 = arith.cmpf ogt, %while3A#1, %gt3A_165 : vector<512x1xf32>
    %jit3A = arith.constant 4.000000e+09 : f32
    %broadcast_in_dim3A_167 = vector.broadcast %jit3A : f32 to vector<512x1xf32>
    %select_n3A = arith.select %gt3A_166, %slice3A_91, %broadcast_in_dim3A_167 : vector<512x1xi1>, vector<512x1xf32>
    %jit3A_168 = arith.constant 4.000000e+09 : f32
    %broadcast_in_dim3A_169 = vector.broadcast %jit3A_168 : f32 to vector<512x1xf32>
    %select_n3A_170 = arith.select %gt3A_166, %slice3A_92, %broadcast_in_dim3A_169 : vector<512x1xi1>, vector<512x1xf32>
    %jit3A_171 = arith.constant -4.000000e+09 : f32
    %broadcast_in_dim3A_172 = vector.broadcast %jit3A_171 : f32 to vector<512x1xf32>
    %select_n3A_173 = arith.select %gt3A_166, %slice3A_93, %broadcast_in_dim3A_172 : vector<512x1xi1>, vector<512x1xf32>
    %jit3A_174 = arith.constant -4.000000e+09 : f32
    %broadcast_in_dim3A_175 = vector.broadcast %jit3A_174 : f32 to vector<512x1xf32>
    %select_n3A_176 = arith.select %gt3A_166, %slice3A_94, %broadcast_in_dim3A_175 : vector<512x1xi1>, vector<512x1xf32>
    %jit3A_177 = arith.constant 1.000000e+00 : f32
    %broadcast_in_dim3A_178 = vector.broadcast %jit3A_177 : f32 to vector<512x1xf32>
    %select_n3A_179 = arith.select %gt3A_166, %slice3A_95, %broadcast_in_dim3A_178 : vector<512x1xi1>, vector<512x1xf32>
    %slice3A_180 = vector.extract_strided_slice %sub3A_67 {offsets = [0, 512], sizes = [1, 4608], strides = [1, 1]} : vector<1x5120xf32> to vector<1x4608xf32>
    %max3A_181 = vector.broadcast %select_n3A : vector<512x1xf32> to vector<512x4608xf32>
    %max3A_182 = vector.broadcast %slice3A_180 : vector<1x4608xf32> to vector<512x4608xf32>
    %max3A_183 = arith.maximumf %max3A_181, %max3A_182 : vector<512x4608xf32>
    %slice3A_184 = vector.extract_strided_slice %sub3A_71 {offsets = [0, 512], sizes = [1, 4608], strides = [1, 1]} : vector<1x5120xf32> to vector<1x4608xf32>
    %max3A_185 = vector.broadcast %select_n3A_170 : vector<512x1xf32> to vector<512x4608xf32>
    %max3A_186 = vector.broadcast %slice3A_184 : vector<1x4608xf32> to vector<512x4608xf32>
    %max3A_187 = arith.maximumf %max3A_185, %max3A_186 : vector<512x4608xf32>
    %slice3A_188 = vector.extract_strided_slice %add3A_75 {offsets = [0, 512], sizes = [1, 4608], strides = [1, 1]} : vector<1x5120xf32> to vector<1x4608xf32>
    %min3A_189 = vector.broadcast %select_n3A_173 : vector<512x1xf32> to vector<512x4608xf32>
    %min3A_190 = vector.broadcast %slice3A_188 : vector<1x4608xf32> to vector<512x4608xf32>
    %min3A_191 = arith.minimumf %min3A_189, %min3A_190 : vector<512x4608xf32>
    %slice3A_192 = vector.extract_strided_slice %add3A_79 {offsets = [0, 512], sizes = [1, 4608], strides = [1, 1]} : vector<1x5120xf32> to vector<1x4608xf32>
    %min3A_193 = vector.broadcast %select_n3A_176 : vector<512x1xf32> to vector<512x4608xf32>
    %min3A_194 = vector.broadcast %slice3A_192 : vector<1x4608xf32> to vector<512x4608xf32>
    %min3A_195 = arith.minimumf %min3A_193, %min3A_194 : vector<512x4608xf32>
    %sub3A_196 = arith.subf %min3A_191, %max3A_183 : vector<512x4608xf32>
    %max3A_197 = arith.constant 0.000000e+00 : f32
    %max3A_198 = vector.broadcast %max3A_197 : f32 to vector<512x4608xf32>
    %max3A_199 = arith.maximumf %sub3A_196, %max3A_198 : vector<512x4608xf32>
    %sub3A_200 = arith.subf %min3A_195, %max3A_187 : vector<512x4608xf32>
    %max3A_201 = arith.constant 0.000000e+00 : f32
    %max3A_202 = vector.broadcast %max3A_201 : f32 to vector<512x4608xf32>
    %max3A_203 = arith.maximumf %sub3A_200, %max3A_202 : vector<512x4608xf32>
    %mul3A_204 = arith.mulf %max3A_199, %max3A_203 : vector<512x4608xf32>
    %slice3A_205 = vector.extract_strided_slice %mul3A_82 {offsets = [0, 512], sizes = [1, 4608], strides = [1, 1]} : vector<1x5120xf32> to vector<1x4608xf32>
    %add3A_206 = vector.broadcast %select_n3A_179 : vector<512x1xf32> to vector<512x4608xf32>
    %add3A_207 = vector.broadcast %slice3A_205 : vector<1x4608xf32> to vector<512x4608xf32>
    %add3A_208 = arith.addf %add3A_206, %add3A_207 : vector<512x4608xf32>
    %sub3A_209 = arith.subf %add3A_208, %mul3A_204 : vector<512x4608xf32>
    %div3A_210 = arith.divf %mul3A_204, %sub3A_209 : vector<512x4608xf32>
    %reduce_max3A_211 = arith.constant dense<0xFF800000> : vector<4608xf32>
    %reduce_max3A_212 = vector.multi_reduction <maximumf>, %div3A_210, %reduce_max3A_211 [0] : vector<512x4608xf32> to vector<4608xf32>
    %broadcast_in_dim3A_213 = vector.shape_cast %reduce_max3A_212 : vector<4608xf32> to vector<1x4608xf32>
    %gt3A_214 = arith.constant 0.699999988 : f32
    %gt3A_215 = vector.broadcast %gt3A_214 : f32 to vector<1x4608xf32>
    %gt3A_216 = arith.cmpf ogt, %broadcast_in_dim3A_213, %gt3A_215 : vector<1x4608xf32>
    %slice3A_217 = vector.extract_strided_slice %broadcast_in_dim3A_90 {offsets = [0, 512], sizes = [1, 4608], strides = [1, 1]} : vector<1x5120xf32> to vector<1x4608xf32>
    %jit3A_218 = arith.constant 0.000000e+00 : f32
    %broadcast_in_dim3A_219 = vector.broadcast %jit3A_218 : f32 to vector<1x4608xf32>
    %select_n3A_220 = arith.select %gt3A_216, %broadcast_in_dim3A_219, %slice3A_217 : vector<1x4608xi1>, vector<1x4608xf32>
    %concatenate3A = tpu.concatenate %while3A#0, %select_n3A_220 in 1 : vector<1x512xf32>, vector<1x4608xf32> -> vector<1x5120xf32>
    %slice3A_221 = vector.extract_strided_slice %sub3A {offsets = [512, 0], sizes = [512, 1], strides = [1, 1]} : vector<5120x1xf32> to vector<512x1xf32>
    %slice3A_222 = vector.extract_strided_slice %sub3A_27 {offsets = [512, 0], sizes = [512, 1], strides = [1, 1]} : vector<5120x1xf32> to vector<512x1xf32>
    %slice3A_223 = vector.extract_strided_slice %add3A_31 {offsets = [512, 0], sizes = [512, 1], strides = [1, 1]} : vector<5120x1xf32> to vector<512x1xf32>
    %slice3A_224 = vector.extract_strided_slice %add3A_35 {offsets = [512, 0], sizes = [512, 1], strides = [1, 1]} : vector<5120x1xf32> to vector<512x1xf32>
    %slice3A_225 = vector.extract_strided_slice %mul3A_38 {offsets = [512, 0], sizes = [512, 1], strides = [1, 1]} : vector<5120x1xf32> to vector<512x1xf32>
    %slice3A_226 = vector.extract_strided_slice %sub3A_67 {offsets = [0, 512], sizes = [1, 512], strides = [1, 1]} : vector<1x5120xf32> to vector<1x512xf32>
    %max3A_227 = vector.broadcast %slice3A_221 : vector<512x1xf32> to vector<512x512xf32>
    %max3A_228 = vector.broadcast %slice3A_226 : vector<1x512xf32> to vector<512x512xf32>
    %max3A_229 = arith.maximumf %max3A_227, %max3A_228 : vector<512x512xf32>
    %slice3A_230 = vector.extract_strided_slice %sub3A_71 {offsets = [0, 512], sizes = [1, 512], strides = [1, 1]} : vector<1x5120xf32> to vector<1x512xf32>
    %max3A_231 = vector.broadcast %slice3A_222 : vector<512x1xf32> to vector<512x512xf32>
    %max3A_232 = vector.broadcast %slice3A_230 : vector<1x512xf32> to vector<512x512xf32>
    %max3A_233 = arith.maximumf %max3A_231, %max3A_232 : vector<512x512xf32>
    %slice3A_234 = vector.extract_strided_slice %add3A_75 {offsets = [0, 512], sizes = [1, 512], strides = [1, 1]} : vector<1x5120xf32> to vector<1x512xf32>
    %min3A_235 = vector.broadcast %slice3A_223 : vector<512x1xf32> to vector<512x512xf32>
    %min3A_236 = vector.broadcast %slice3A_234 : vector<1x512xf32> to vector<512x512xf32>
    %min3A_237 = arith.minimumf %min3A_235, %min3A_236 : vector<512x512xf32>
    %slice3A_238 = vector.extract_strided_slice %add3A_79 {offsets = [0, 512], sizes = [1, 512], strides = [1, 1]} : vector<1x5120xf32> to vector<1x512xf32>
    %min3A_239 = vector.broadcast %slice3A_224 : vector<512x1xf32> to vector<512x512xf32>
    %min3A_240 = vector.broadcast %slice3A_238 : vector<1x512xf32> to vector<512x512xf32>
    %min3A_241 = arith.minimumf %min3A_239, %min3A_240 : vector<512x512xf32>
    %sub3A_242 = arith.subf %min3A_237, %max3A_229 : vector<512x512xf32>
    %max3A_243 = arith.constant 0.000000e+00 : f32
    %max3A_244 = vector.broadcast %max3A_243 : f32 to vector<512x512xf32>
    %max3A_245 = arith.maximumf %sub3A_242, %max3A_244 : vector<512x512xf32>
    %sub3A_246 = arith.subf %min3A_241, %max3A_233 : vector<512x512xf32>
    %max3A_247 = arith.constant 0.000000e+00 : f32
    %max3A_248 = vector.broadcast %max3A_247 : f32 to vector<512x512xf32>
    %max3A_249 = arith.maximumf %sub3A_246, %max3A_248 : vector<512x512xf32>
    %mul3A_250 = arith.mulf %max3A_245, %max3A_249 : vector<512x512xf32>
    %slice3A_251 = vector.extract_strided_slice %mul3A_82 {offsets = [0, 512], sizes = [1, 512], strides = [1, 1]} : vector<1x5120xf32> to vector<1x512xf32>
    %add3A_252 = vector.broadcast %slice3A_225 : vector<512x1xf32> to vector<512x512xf32>
    %add3A_253 = vector.broadcast %slice3A_251 : vector<1x512xf32> to vector<512x512xf32>
    %add3A_254 = arith.addf %add3A_252, %add3A_253 : vector<512x512xf32>
    %sub3A_255 = arith.subf %add3A_254, %mul3A_250 : vector<512x512xf32>
    %div3A_256 = arith.divf %mul3A_250, %sub3A_255 : vector<512x512xf32>
    %gt3A_257 = arith.constant 0.699999988 : f32
    %gt3A_258 = vector.broadcast %gt3A_257 : f32 to vector<512x512xf32>
    %gt3A_259 = arith.cmpf ogt, %div3A_256, %gt3A_258 : vector<512x512xf32>
    %convert_element_type3A_260 = arith.extui %gt3A_259 : vector<512x512xi1> to vector<512x512xi32>
    %convert_element_type3A_261 = arith.sitofp %convert_element_type3A_260 : vector<512x512xi32> to vector<512x512xf32>
    %mul3A_262 = arith.mulf %convert_element_type3A_261, %convert_element_type3A_84 : vector<512x512xf32>
    %mul3A_263 = arith.mulf %convert_element_type3A_261, %convert_element_type3A_87 : vector<512x512xf32>
    %slice3A_264 = vector.extract_strided_slice %concatenate3A {offsets = [0, 512], sizes = [1, 512], strides = [1, 1]} : vector<1x5120xf32> to vector<1x512xf32>
    %mul3A_265 = vector.broadcast %slice3A_264 : vector<1x512xf32> to vector<512x512xf32>
    %mul3A_266 = arith.mulf %convert_element_type3A_89, %mul3A_265 : vector<512x512xf32>
    %reduce_max3A_267 = arith.constant dense<0xFF800000> : vector<512xf32>
    %reduce_max3A_268 = vector.multi_reduction <maximumf>, %mul3A_266, %reduce_max3A_267 [1] : vector<512x512xf32> to vector<512xf32>
    %broadcast_in_dim3A_269 = vector.shape_cast %reduce_max3A_268 : vector<512xf32> to vector<512x1xf32>
    %mul3A_270 = vector.broadcast %slice3A_264 : vector<1x512xf32> to vector<512x512xf32>
    %mul3A_271 = arith.mulf %mul3A_262, %mul3A_270 : vector<512x512xf32>
    %reduce_max3A_272 = arith.constant dense<0xFF800000> : vector<512xf32>
    %reduce_max3A_273 = vector.multi_reduction <maximumf>, %mul3A_271, %reduce_max3A_272 [1] : vector<512x512xf32> to vector<512xf32>
    %broadcast_in_dim3A_274 = vector.shape_cast %reduce_max3A_273 : vector<512xf32> to vector<512x1xf32>
    %mul3A_275 = vector.broadcast %broadcast_in_dim3A_269 : vector<512x1xf32> to vector<512x512xf32>
    %mul3A_276 = arith.mulf %mul3A_263, %mul3A_275 : vector<512x512xf32>
    %reduce_max3A_277 = arith.constant dense<0xFF800000> : vector<512xf32>
    %reduce_max3A_278 = vector.multi_reduction <maximumf>, %mul3A_276, %reduce_max3A_277 [0] : vector<512x512xf32> to vector<512xf32>
    %broadcast_in_dim3A_279 = vector.shape_cast %reduce_max3A_278 : vector<512xf32> to vector<1x512xf32>
    %sub3A_280 = arith.constant 1.000000e+00 : f32
    %sub3A_281 = vector.broadcast %sub3A_280 : f32 to vector<512x1xf32>
    %sub3A_282 = arith.subf %sub3A_281, %broadcast_in_dim3A_274 : vector<512x1xf32>
    %mul3A_283 = arith.mulf %broadcast_in_dim3A_269, %sub3A_282 : vector<512x1xf32>
    %sub3A_284 = arith.constant 1.000000e+00 : f32
    %sub3A_285 = vector.broadcast %sub3A_284 : f32 to vector<1x512xf32>
    %sub3A_286 = arith.subf %sub3A_285, %broadcast_in_dim3A_279 : vector<1x512xf32>
    %mul3A_287 = arith.mulf %slice3A_264, %sub3A_286 : vector<1x512xf32>
    %ne3A_288 = arith.cmpf one, %mul3A_287, %slice3A_264 : vector<1x512xf32>
    %reduce_or3A_289 = arith.constant 1.000000e+00 : f32
    %reduce_or3A_290 = arith.constant 0.000000e+00 : f32
    %reduce_or3A_291 = vector.broadcast %reduce_or3A_289 : f32 to vector<1x512xf32>
    %reduce_or3A_292 = vector.broadcast %reduce_or3A_290 : f32 to vector<1x512xf32>
    %reduce_or3A_293 = arith.select %ne3A_288, %reduce_or3A_291, %reduce_or3A_292 : vector<1x512xi1>, vector<1x512xf32>
    %reduce_or3A_294 = vector.shape_cast %reduce_or3A_293 : vector<1x512xf32> to vector<1x1x512xf32>
    %reduce_or3A_295 = arith.constant dense<0xFF800000> : vector<1xf32>
    %reduce_or3A_296 = vector.multi_reduction <maximumf>, %reduce_or3A_294, %reduce_or3A_295 [1, 2] : vector<1x1x512xf32> to vector<1xf32>
    %reduce_or3A_297 = vector.shape_cast %reduce_or3A_296 : vector<1xf32> to vector<1x1x1xf32>
    %reduce_or3A_298 = vector.extract %reduce_or3A_297[0, 0, 0] : f32 from vector<1x1x1xf32>
    %reduce_or3A_299 = arith.constant 0.000000e+00 : f32
    %reduce_or3A_300 = arith.cmpf ogt, %reduce_or3A_298, %reduce_or3A_299 : f32
    %while3A_301:3 = scf.while (%while3A_1467 = %mul3A_287, %while3A_1468 = %mul3A_283, %while3A_1469 = %reduce_or3A_300) : (vector<1x512xf32>, vector<512x1xf32>, i1) -> (vector<1x512xf32>, vector<512x1xf32>, i1) {
      scf.condition(%while3A_1469) %while3A_1467, %while3A_1468, %while3A_1469 : vector<1x512xf32>, vector<512x1xf32>, i1
    } do {
    ^bb0(%while3A_1467: vector<1x512xf32>, %while3A_1468: vector<512x1xf32>, %while3A_1469: i1):
      %mul3A_1470 = vector.broadcast %while3A_1467 : vector<1x512xf32> to vector<512x512xf32>
      %mul3A_1471 = arith.mulf %mul3A_262, %mul3A_1470 : vector<512x512xf32>
      %reduce_max3A_1472 = arith.constant dense<0xFF800000> : vector<512xf32>
      %reduce_max3A_1473 = vector.multi_reduction <maximumf>, %mul3A_1471, %reduce_max3A_1472 [1] : vector<512x512xf32> to vector<512xf32>
      %broadcast_in_dim3A_1474 = vector.shape_cast %reduce_max3A_1473 : vector<512xf32> to vector<512x1xf32>
      %mul3A_1475 = vector.broadcast %while3A_1468 : vector<512x1xf32> to vector<512x512xf32>
      %mul3A_1476 = arith.mulf %mul3A_263, %mul3A_1475 : vector<512x512xf32>
      %reduce_max3A_1477 = arith.constant dense<0xFF800000> : vector<512xf32>
      %reduce_max3A_1478 = vector.multi_reduction <maximumf>, %mul3A_1476, %reduce_max3A_1477 [0] : vector<512x512xf32> to vector<512xf32>
      %broadcast_in_dim3A_1479 = vector.shape_cast %reduce_max3A_1478 : vector<512xf32> to vector<1x512xf32>
      %sub3A_1480 = arith.constant 1.000000e+00 : f32
      %sub3A_1481 = vector.broadcast %sub3A_1480 : f32 to vector<512x1xf32>
      %sub3A_1482 = arith.subf %sub3A_1481, %broadcast_in_dim3A_1474 : vector<512x1xf32>
      %mul3A_1483 = arith.mulf %broadcast_in_dim3A_269, %sub3A_1482 : vector<512x1xf32>
      %sub3A_1484 = arith.constant 1.000000e+00 : f32
      %sub3A_1485 = vector.broadcast %sub3A_1484 : f32 to vector<1x512xf32>
      %sub3A_1486 = arith.subf %sub3A_1485, %broadcast_in_dim3A_1479 : vector<1x512xf32>
      %mul3A_1487 = arith.mulf %slice3A_264, %sub3A_1486 : vector<1x512xf32>
      %ne3A_1488 = arith.cmpf one, %mul3A_1487, %while3A_1467 : vector<1x512xf32>
      %reduce_or3A_1489 = arith.constant 1.000000e+00 : f32
      %reduce_or3A_1490 = arith.constant 0.000000e+00 : f32
      %reduce_or3A_1491 = vector.broadcast %reduce_or3A_1489 : f32 to vector<1x512xf32>
      %reduce_or3A_1492 = vector.broadcast %reduce_or3A_1490 : f32 to vector<1x512xf32>
      %reduce_or3A_1493 = arith.select %ne3A_1488, %reduce_or3A_1491, %reduce_or3A_1492 : vector<1x512xi1>, vector<1x512xf32>
      %reduce_or3A_1494 = vector.shape_cast %reduce_or3A_1493 : vector<1x512xf32> to vector<1x1x512xf32>
      %reduce_or3A_1495 = arith.constant dense<0xFF800000> : vector<1xf32>
      %reduce_or3A_1496 = vector.multi_reduction <maximumf>, %reduce_or3A_1494, %reduce_or3A_1495 [1, 2] : vector<1x1x512xf32> to vector<1xf32>
      %reduce_or3A_1497 = vector.shape_cast %reduce_or3A_1496 : vector<1xf32> to vector<1x1x1xf32>
      %reduce_or3A_1498 = vector.extract %reduce_or3A_1497[0, 0, 0] : f32 from vector<1x1x1xf32>
      %reduce_or3A_1499 = arith.constant 0.000000e+00 : f32
      %reduce_or3A_1500 = arith.cmpf ogt, %reduce_or3A_1498, %reduce_or3A_1499 : f32
      scf.yield %mul3A_1487, %mul3A_1483, %reduce_or3A_1500 : vector<1x512xf32>, vector<512x1xf32>, i1
    }
    %slice3A_302 = vector.extract_strided_slice %concatenate3A {offsets = [0, 0], sizes = [1, 512], strides = [1, 1]} : vector<1x5120xf32> to vector<1x512xf32>
    %gt3A_303 = arith.constant 0.000000e+00 : f32
    %gt3A_304 = vector.broadcast %gt3A_303 : f32 to vector<512x1xf32>
    %gt3A_305 = arith.cmpf ogt, %while3A_301#1, %gt3A_304 : vector<512x1xf32>
    %jit3A_306 = arith.constant 4.000000e+09 : f32
    %broadcast_in_dim3A_307 = vector.broadcast %jit3A_306 : f32 to vector<512x1xf32>
    %select_n3A_308 = arith.select %gt3A_305, %slice3A_221, %broadcast_in_dim3A_307 : vector<512x1xi1>, vector<512x1xf32>
    %jit3A_309 = arith.constant 4.000000e+09 : f32
    %broadcast_in_dim3A_310 = vector.broadcast %jit3A_309 : f32 to vector<512x1xf32>
    %select_n3A_311 = arith.select %gt3A_305, %slice3A_222, %broadcast_in_dim3A_310 : vector<512x1xi1>, vector<512x1xf32>
    %jit3A_312 = arith.constant -4.000000e+09 : f32
    %broadcast_in_dim3A_313 = vector.broadcast %jit3A_312 : f32 to vector<512x1xf32>
    %select_n3A_314 = arith.select %gt3A_305, %slice3A_223, %broadcast_in_dim3A_313 : vector<512x1xi1>, vector<512x1xf32>
    %jit3A_315 = arith.constant -4.000000e+09 : f32
    %broadcast_in_dim3A_316 = vector.broadcast %jit3A_315 : f32 to vector<512x1xf32>
    %select_n3A_317 = arith.select %gt3A_305, %slice3A_224, %broadcast_in_dim3A_316 : vector<512x1xi1>, vector<512x1xf32>
    %jit3A_318 = arith.constant 1.000000e+00 : f32
    %broadcast_in_dim3A_319 = vector.broadcast %jit3A_318 : f32 to vector<512x1xf32>
    %select_n3A_320 = arith.select %gt3A_305, %slice3A_225, %broadcast_in_dim3A_319 : vector<512x1xi1>, vector<512x1xf32>
    %slice3A_321 = vector.extract_strided_slice %sub3A_67 {offsets = [0, 1024], sizes = [1, 4096], strides = [1, 1]} : vector<1x5120xf32> to vector<1x4096xf32>
    %max3A_322 = vector.broadcast %select_n3A_308 : vector<512x1xf32> to vector<512x4096xf32>
    %max3A_323 = vector.broadcast %slice3A_321 : vector<1x4096xf32> to vector<512x4096xf32>
    %max3A_324 = arith.maximumf %max3A_322, %max3A_323 : vector<512x4096xf32>
    %slice3A_325 = vector.extract_strided_slice %sub3A_71 {offsets = [0, 1024], sizes = [1, 4096], strides = [1, 1]} : vector<1x5120xf32> to vector<1x4096xf32>
    %max3A_326 = vector.broadcast %select_n3A_311 : vector<512x1xf32> to vector<512x4096xf32>
    %max3A_327 = vector.broadcast %slice3A_325 : vector<1x4096xf32> to vector<512x4096xf32>
    %max3A_328 = arith.maximumf %max3A_326, %max3A_327 : vector<512x4096xf32>
    %slice3A_329 = vector.extract_strided_slice %add3A_75 {offsets = [0, 1024], sizes = [1, 4096], strides = [1, 1]} : vector<1x5120xf32> to vector<1x4096xf32>
    %min3A_330 = vector.broadcast %select_n3A_314 : vector<512x1xf32> to vector<512x4096xf32>
    %min3A_331 = vector.broadcast %slice3A_329 : vector<1x4096xf32> to vector<512x4096xf32>
    %min3A_332 = arith.minimumf %min3A_330, %min3A_331 : vector<512x4096xf32>
    %slice3A_333 = vector.extract_strided_slice %add3A_79 {offsets = [0, 1024], sizes = [1, 4096], strides = [1, 1]} : vector<1x5120xf32> to vector<1x4096xf32>
    %min3A_334 = vector.broadcast %select_n3A_317 : vector<512x1xf32> to vector<512x4096xf32>
    %min3A_335 = vector.broadcast %slice3A_333 : vector<1x4096xf32> to vector<512x4096xf32>
    %min3A_336 = arith.minimumf %min3A_334, %min3A_335 : vector<512x4096xf32>
    %sub3A_337 = arith.subf %min3A_332, %max3A_324 : vector<512x4096xf32>
    %max3A_338 = arith.constant 0.000000e+00 : f32
    %max3A_339 = vector.broadcast %max3A_338 : f32 to vector<512x4096xf32>
    %max3A_340 = arith.maximumf %sub3A_337, %max3A_339 : vector<512x4096xf32>
    %sub3A_341 = arith.subf %min3A_336, %max3A_328 : vector<512x4096xf32>
    %max3A_342 = arith.constant 0.000000e+00 : f32
    %max3A_343 = vector.broadcast %max3A_342 : f32 to vector<512x4096xf32>
    %max3A_344 = arith.maximumf %sub3A_341, %max3A_343 : vector<512x4096xf32>
    %mul3A_345 = arith.mulf %max3A_340, %max3A_344 : vector<512x4096xf32>
    %slice3A_346 = vector.extract_strided_slice %mul3A_82 {offsets = [0, 1024], sizes = [1, 4096], strides = [1, 1]} : vector<1x5120xf32> to vector<1x4096xf32>
    %add3A_347 = vector.broadcast %select_n3A_320 : vector<512x1xf32> to vector<512x4096xf32>
    %add3A_348 = vector.broadcast %slice3A_346 : vector<1x4096xf32> to vector<512x4096xf32>
    %add3A_349 = arith.addf %add3A_347, %add3A_348 : vector<512x4096xf32>
    %sub3A_350 = arith.subf %add3A_349, %mul3A_345 : vector<512x4096xf32>
    %div3A_351 = arith.divf %mul3A_345, %sub3A_350 : vector<512x4096xf32>
    %reduce_max3A_352 = arith.constant dense<0xFF800000> : vector<4096xf32>
    %reduce_max3A_353 = vector.multi_reduction <maximumf>, %div3A_351, %reduce_max3A_352 [0] : vector<512x4096xf32> to vector<4096xf32>
    %broadcast_in_dim3A_354 = vector.shape_cast %reduce_max3A_353 : vector<4096xf32> to vector<1x4096xf32>
    %gt3A_355 = arith.constant 0.699999988 : f32
    %gt3A_356 = vector.broadcast %gt3A_355 : f32 to vector<1x4096xf32>
    %gt3A_357 = arith.cmpf ogt, %broadcast_in_dim3A_354, %gt3A_356 : vector<1x4096xf32>
    %slice3A_358 = vector.extract_strided_slice %concatenate3A {offsets = [0, 1024], sizes = [1, 4096], strides = [1, 1]} : vector<1x5120xf32> to vector<1x4096xf32>
    %jit3A_359 = arith.constant 0.000000e+00 : f32
    %broadcast_in_dim3A_360 = vector.broadcast %jit3A_359 : f32 to vector<1x4096xf32>
    %select_n3A_361 = arith.select %gt3A_357, %broadcast_in_dim3A_360, %slice3A_358 : vector<1x4096xi1>, vector<1x4096xf32>
    %concatenate3A_362 = tpu.concatenate %slice3A_302, %while3A_301#0, %select_n3A_361 in 1 : vector<1x512xf32>, vector<1x512xf32>, vector<1x4096xf32> -> vector<1x5120xf32>
    %slice3A_363 = vector.extract_strided_slice %sub3A {offsets = [1024, 0], sizes = [512, 1], strides = [1, 1]} : vector<5120x1xf32> to vector<512x1xf32>
    %slice3A_364 = vector.extract_strided_slice %sub3A_27 {offsets = [1024, 0], sizes = [512, 1], strides = [1, 1]} : vector<5120x1xf32> to vector<512x1xf32>
    %slice3A_365 = vector.extract_strided_slice %add3A_31 {offsets = [1024, 0], sizes = [512, 1], strides = [1, 1]} : vector<5120x1xf32> to vector<512x1xf32>
    %slice3A_366 = vector.extract_strided_slice %add3A_35 {offsets = [1024, 0], sizes = [512, 1], strides = [1, 1]} : vector<5120x1xf32> to vector<512x1xf32>
    %slice3A_367 = vector.extract_strided_slice %mul3A_38 {offsets = [1024, 0], sizes = [512, 1], strides = [1, 1]} : vector<5120x1xf32> to vector<512x1xf32>
    %slice3A_368 = vector.extract_strided_slice %sub3A_67 {offsets = [0, 1024], sizes = [1, 512], strides = [1, 1]} : vector<1x5120xf32> to vector<1x512xf32>
    %max3A_369 = vector.broadcast %slice3A_363 : vector<512x1xf32> to vector<512x512xf32>
    %max3A_370 = vector.broadcast %slice3A_368 : vector<1x512xf32> to vector<512x512xf32>
    %max3A_371 = arith.maximumf %max3A_369, %max3A_370 : vector<512x512xf32>
    %slice3A_372 = vector.extract_strided_slice %sub3A_71 {offsets = [0, 1024], sizes = [1, 512], strides = [1, 1]} : vector<1x5120xf32> to vector<1x512xf32>
    %max3A_373 = vector.broadcast %slice3A_364 : vector<512x1xf32> to vector<512x512xf32>
    %max3A_374 = vector.broadcast %slice3A_372 : vector<1x512xf32> to vector<512x512xf32>
    %max3A_375 = arith.maximumf %max3A_373, %max3A_374 : vector<512x512xf32>
    %slice3A_376 = vector.extract_strided_slice %add3A_75 {offsets = [0, 1024], sizes = [1, 512], strides = [1, 1]} : vector<1x5120xf32> to vector<1x512xf32>
    %min3A_377 = vector.broadcast %slice3A_365 : vector<512x1xf32> to vector<512x512xf32>
    %min3A_378 = vector.broadcast %slice3A_376 : vector<1x512xf32> to vector<512x512xf32>
    %min3A_379 = arith.minimumf %min3A_377, %min3A_378 : vector<512x512xf32>
    %slice3A_380 = vector.extract_strided_slice %add3A_79 {offsets = [0, 1024], sizes = [1, 512], strides = [1, 1]} : vector<1x5120xf32> to vector<1x512xf32>
    %min3A_381 = vector.broadcast %slice3A_366 : vector<512x1xf32> to vector<512x512xf32>
    %min3A_382 = vector.broadcast %slice3A_380 : vector<1x512xf32> to vector<512x512xf32>
    %min3A_383 = arith.minimumf %min3A_381, %min3A_382 : vector<512x512xf32>
    %sub3A_384 = arith.subf %min3A_379, %max3A_371 : vector<512x512xf32>
    %max3A_385 = arith.constant 0.000000e+00 : f32
    %max3A_386 = vector.broadcast %max3A_385 : f32 to vector<512x512xf32>
    %max3A_387 = arith.maximumf %sub3A_384, %max3A_386 : vector<512x512xf32>
    %sub3A_388 = arith.subf %min3A_383, %max3A_375 : vector<512x512xf32>
    %max3A_389 = arith.constant 0.000000e+00 : f32
    %max3A_390 = vector.broadcast %max3A_389 : f32 to vector<512x512xf32>
    %max3A_391 = arith.maximumf %sub3A_388, %max3A_390 : vector<512x512xf32>
    %mul3A_392 = arith.mulf %max3A_387, %max3A_391 : vector<512x512xf32>
    %slice3A_393 = vector.extract_strided_slice %mul3A_82 {offsets = [0, 1024], sizes = [1, 512], strides = [1, 1]} : vector<1x5120xf32> to vector<1x512xf32>
    %add3A_394 = vector.broadcast %slice3A_367 : vector<512x1xf32> to vector<512x512xf32>
    %add3A_395 = vector.broadcast %slice3A_393 : vector<1x512xf32> to vector<512x512xf32>
    %add3A_396 = arith.addf %add3A_394, %add3A_395 : vector<512x512xf32>
    %sub3A_397 = arith.subf %add3A_396, %mul3A_392 : vector<512x512xf32>
    %div3A_398 = arith.divf %mul3A_392, %sub3A_397 : vector<512x512xf32>
    %gt3A_399 = arith.constant 0.699999988 : f32
    %gt3A_400 = vector.broadcast %gt3A_399 : f32 to vector<512x512xf32>
    %gt3A_401 = arith.cmpf ogt, %div3A_398, %gt3A_400 : vector<512x512xf32>
    %convert_element_type3A_402 = arith.extui %gt3A_401 : vector<512x512xi1> to vector<512x512xi32>
    %convert_element_type3A_403 = arith.sitofp %convert_element_type3A_402 : vector<512x512xi32> to vector<512x512xf32>
    %mul3A_404 = arith.mulf %convert_element_type3A_403, %convert_element_type3A_84 : vector<512x512xf32>
    %mul3A_405 = arith.mulf %convert_element_type3A_403, %convert_element_type3A_87 : vector<512x512xf32>
    %slice3A_406 = vector.extract_strided_slice %concatenate3A_362 {offsets = [0, 1024], sizes = [1, 512], strides = [1, 1]} : vector<1x5120xf32> to vector<1x512xf32>
    %mul3A_407 = vector.broadcast %slice3A_406 : vector<1x512xf32> to vector<512x512xf32>
    %mul3A_408 = arith.mulf %convert_element_type3A_89, %mul3A_407 : vector<512x512xf32>
    %reduce_max3A_409 = arith.constant dense<0xFF800000> : vector<512xf32>
    %reduce_max3A_410 = vector.multi_reduction <maximumf>, %mul3A_408, %reduce_max3A_409 [1] : vector<512x512xf32> to vector<512xf32>
    %broadcast_in_dim3A_411 = vector.shape_cast %reduce_max3A_410 : vector<512xf32> to vector<512x1xf32>
    %mul3A_412 = vector.broadcast %slice3A_406 : vector<1x512xf32> to vector<512x512xf32>
    %mul3A_413 = arith.mulf %mul3A_404, %mul3A_412 : vector<512x512xf32>
    %reduce_max3A_414 = arith.constant dense<0xFF800000> : vector<512xf32>
    %reduce_max3A_415 = vector.multi_reduction <maximumf>, %mul3A_413, %reduce_max3A_414 [1] : vector<512x512xf32> to vector<512xf32>
    %broadcast_in_dim3A_416 = vector.shape_cast %reduce_max3A_415 : vector<512xf32> to vector<512x1xf32>
    %mul3A_417 = vector.broadcast %broadcast_in_dim3A_411 : vector<512x1xf32> to vector<512x512xf32>
    %mul3A_418 = arith.mulf %mul3A_405, %mul3A_417 : vector<512x512xf32>
    %reduce_max3A_419 = arith.constant dense<0xFF800000> : vector<512xf32>
    %reduce_max3A_420 = vector.multi_reduction <maximumf>, %mul3A_418, %reduce_max3A_419 [0] : vector<512x512xf32> to vector<512xf32>
    %broadcast_in_dim3A_421 = vector.shape_cast %reduce_max3A_420 : vector<512xf32> to vector<1x512xf32>
    %sub3A_422 = arith.constant 1.000000e+00 : f32
    %sub3A_423 = vector.broadcast %sub3A_422 : f32 to vector<512x1xf32>
    %sub3A_424 = arith.subf %sub3A_423, %broadcast_in_dim3A_416 : vector<512x1xf32>
    %mul3A_425 = arith.mulf %broadcast_in_dim3A_411, %sub3A_424 : vector<512x1xf32>
    %sub3A_426 = arith.constant 1.000000e+00 : f32
    %sub3A_427 = vector.broadcast %sub3A_426 : f32 to vector<1x512xf32>
    %sub3A_428 = arith.subf %sub3A_427, %broadcast_in_dim3A_421 : vector<1x512xf32>
    %mul3A_429 = arith.mulf %slice3A_406, %sub3A_428 : vector<1x512xf32>
    %ne3A_430 = arith.cmpf one, %mul3A_429, %slice3A_406 : vector<1x512xf32>
    %reduce_or3A_431 = arith.constant 1.000000e+00 : f32
    %reduce_or3A_432 = arith.constant 0.000000e+00 : f32
    %reduce_or3A_433 = vector.broadcast %reduce_or3A_431 : f32 to vector<1x512xf32>
    %reduce_or3A_434 = vector.broadcast %reduce_or3A_432 : f32 to vector<1x512xf32>
    %reduce_or3A_435 = arith.select %ne3A_430, %reduce_or3A_433, %reduce_or3A_434 : vector<1x512xi1>, vector<1x512xf32>
    %reduce_or3A_436 = vector.shape_cast %reduce_or3A_435 : vector<1x512xf32> to vector<1x1x512xf32>
    %reduce_or3A_437 = arith.constant dense<0xFF800000> : vector<1xf32>
    %reduce_or3A_438 = vector.multi_reduction <maximumf>, %reduce_or3A_436, %reduce_or3A_437 [1, 2] : vector<1x1x512xf32> to vector<1xf32>
    %reduce_or3A_439 = vector.shape_cast %reduce_or3A_438 : vector<1xf32> to vector<1x1x1xf32>
    %reduce_or3A_440 = vector.extract %reduce_or3A_439[0, 0, 0] : f32 from vector<1x1x1xf32>
    %reduce_or3A_441 = arith.constant 0.000000e+00 : f32
    %reduce_or3A_442 = arith.cmpf ogt, %reduce_or3A_440, %reduce_or3A_441 : f32
    %while3A_443:3 = scf.while (%while3A_1467 = %mul3A_429, %while3A_1468 = %mul3A_425, %while3A_1469 = %reduce_or3A_442) : (vector<1x512xf32>, vector<512x1xf32>, i1) -> (vector<1x512xf32>, vector<512x1xf32>, i1) {
      scf.condition(%while3A_1469) %while3A_1467, %while3A_1468, %while3A_1469 : vector<1x512xf32>, vector<512x1xf32>, i1
    } do {
    ^bb0(%while3A_1467: vector<1x512xf32>, %while3A_1468: vector<512x1xf32>, %while3A_1469: i1):
      %mul3A_1470 = vector.broadcast %while3A_1467 : vector<1x512xf32> to vector<512x512xf32>
      %mul3A_1471 = arith.mulf %mul3A_404, %mul3A_1470 : vector<512x512xf32>
      %reduce_max3A_1472 = arith.constant dense<0xFF800000> : vector<512xf32>
      %reduce_max3A_1473 = vector.multi_reduction <maximumf>, %mul3A_1471, %reduce_max3A_1472 [1] : vector<512x512xf32> to vector<512xf32>
      %broadcast_in_dim3A_1474 = vector.shape_cast %reduce_max3A_1473 : vector<512xf32> to vector<512x1xf32>
      %mul3A_1475 = vector.broadcast %while3A_1468 : vector<512x1xf32> to vector<512x512xf32>
      %mul3A_1476 = arith.mulf %mul3A_405, %mul3A_1475 : vector<512x512xf32>
      %reduce_max3A_1477 = arith.constant dense<0xFF800000> : vector<512xf32>
      %reduce_max3A_1478 = vector.multi_reduction <maximumf>, %mul3A_1476, %reduce_max3A_1477 [0] : vector<512x512xf32> to vector<512xf32>
      %broadcast_in_dim3A_1479 = vector.shape_cast %reduce_max3A_1478 : vector<512xf32> to vector<1x512xf32>
      %sub3A_1480 = arith.constant 1.000000e+00 : f32
      %sub3A_1481 = vector.broadcast %sub3A_1480 : f32 to vector<512x1xf32>
      %sub3A_1482 = arith.subf %sub3A_1481, %broadcast_in_dim3A_1474 : vector<512x1xf32>
      %mul3A_1483 = arith.mulf %broadcast_in_dim3A_411, %sub3A_1482 : vector<512x1xf32>
      %sub3A_1484 = arith.constant 1.000000e+00 : f32
      %sub3A_1485 = vector.broadcast %sub3A_1484 : f32 to vector<1x512xf32>
      %sub3A_1486 = arith.subf %sub3A_1485, %broadcast_in_dim3A_1479 : vector<1x512xf32>
      %mul3A_1487 = arith.mulf %slice3A_406, %sub3A_1486 : vector<1x512xf32>
      %ne3A_1488 = arith.cmpf one, %mul3A_1487, %while3A_1467 : vector<1x512xf32>
      %reduce_or3A_1489 = arith.constant 1.000000e+00 : f32
      %reduce_or3A_1490 = arith.constant 0.000000e+00 : f32
      %reduce_or3A_1491 = vector.broadcast %reduce_or3A_1489 : f32 to vector<1x512xf32>
      %reduce_or3A_1492 = vector.broadcast %reduce_or3A_1490 : f32 to vector<1x512xf32>
      %reduce_or3A_1493 = arith.select %ne3A_1488, %reduce_or3A_1491, %reduce_or3A_1492 : vector<1x512xi1>, vector<1x512xf32>
      %reduce_or3A_1494 = vector.shape_cast %reduce_or3A_1493 : vector<1x512xf32> to vector<1x1x512xf32>
      %reduce_or3A_1495 = arith.constant dense<0xFF800000> : vector<1xf32>
      %reduce_or3A_1496 = vector.multi_reduction <maximumf>, %reduce_or3A_1494, %reduce_or3A_1495 [1, 2] : vector<1x1x512xf32> to vector<1xf32>
      %reduce_or3A_1497 = vector.shape_cast %reduce_or3A_1496 : vector<1xf32> to vector<1x1x1xf32>
      %reduce_or3A_1498 = vector.extract %reduce_or3A_1497[0, 0, 0] : f32 from vector<1x1x1xf32>
      %reduce_or3A_1499 = arith.constant 0.000000e+00 : f32
      %reduce_or3A_1500 = arith.cmpf ogt, %reduce_or3A_1498, %reduce_or3A_1499 : f32
      scf.yield %mul3A_1487, %mul3A_1483, %reduce_or3A_1500 : vector<1x512xf32>, vector<512x1xf32>, i1
    }
    %slice3A_444 = vector.extract_strided_slice %concatenate3A_362 {offsets = [0, 0], sizes = [1, 1024], strides = [1, 1]} : vector<1x5120xf32> to vector<1x1024xf32>
    %gt3A_445 = arith.constant 0.000000e+00 : f32
    %gt3A_446 = vector.broadcast %gt3A_445 : f32 to vector<512x1xf32>
    %gt3A_447 = arith.cmpf ogt, %while3A_443#1, %gt3A_446 : vector<512x1xf32>
    %jit3A_448 = arith.constant 4.000000e+09 : f32
    %broadcast_in_dim3A_449 = vector.broadcast %jit3A_448 : f32 to vector<512x1xf32>
    %select_n3A_450 = arith.select %gt3A_447, %slice3A_363, %broadcast_in_dim3A_449 : vector<512x1xi1>, vector<512x1xf32>
    %jit3A_451 = arith.constant 4.000000e+09 : f32
    %broadcast_in_dim3A_452 = vector.broadcast %jit3A_451 : f32 to vector<512x1xf32>
    %select_n3A_453 = arith.select %gt3A_447, %slice3A_364, %broadcast_in_dim3A_452 : vector<512x1xi1>, vector<512x1xf32>
    %jit3A_454 = arith.constant -4.000000e+09 : f32
    %broadcast_in_dim3A_455 = vector.broadcast %jit3A_454 : f32 to vector<512x1xf32>
    %select_n3A_456 = arith.select %gt3A_447, %slice3A_365, %broadcast_in_dim3A_455 : vector<512x1xi1>, vector<512x1xf32>
    %jit3A_457 = arith.constant -4.000000e+09 : f32
    %broadcast_in_dim3A_458 = vector.broadcast %jit3A_457 : f32 to vector<512x1xf32>
    %select_n3A_459 = arith.select %gt3A_447, %slice3A_366, %broadcast_in_dim3A_458 : vector<512x1xi1>, vector<512x1xf32>
    %jit3A_460 = arith.constant 1.000000e+00 : f32
    %broadcast_in_dim3A_461 = vector.broadcast %jit3A_460 : f32 to vector<512x1xf32>
    %select_n3A_462 = arith.select %gt3A_447, %slice3A_367, %broadcast_in_dim3A_461 : vector<512x1xi1>, vector<512x1xf32>
    %slice3A_463 = vector.extract_strided_slice %sub3A_67 {offsets = [0, 1536], sizes = [1, 3584], strides = [1, 1]} : vector<1x5120xf32> to vector<1x3584xf32>
    %max3A_464 = vector.broadcast %select_n3A_450 : vector<512x1xf32> to vector<512x3584xf32>
    %max3A_465 = vector.broadcast %slice3A_463 : vector<1x3584xf32> to vector<512x3584xf32>
    %max3A_466 = arith.maximumf %max3A_464, %max3A_465 : vector<512x3584xf32>
    %slice3A_467 = vector.extract_strided_slice %sub3A_71 {offsets = [0, 1536], sizes = [1, 3584], strides = [1, 1]} : vector<1x5120xf32> to vector<1x3584xf32>
    %max3A_468 = vector.broadcast %select_n3A_453 : vector<512x1xf32> to vector<512x3584xf32>
    %max3A_469 = vector.broadcast %slice3A_467 : vector<1x3584xf32> to vector<512x3584xf32>
    %max3A_470 = arith.maximumf %max3A_468, %max3A_469 : vector<512x3584xf32>
    %slice3A_471 = vector.extract_strided_slice %add3A_75 {offsets = [0, 1536], sizes = [1, 3584], strides = [1, 1]} : vector<1x5120xf32> to vector<1x3584xf32>
    %min3A_472 = vector.broadcast %select_n3A_456 : vector<512x1xf32> to vector<512x3584xf32>
    %min3A_473 = vector.broadcast %slice3A_471 : vector<1x3584xf32> to vector<512x3584xf32>
    %min3A_474 = arith.minimumf %min3A_472, %min3A_473 : vector<512x3584xf32>
    %slice3A_475 = vector.extract_strided_slice %add3A_79 {offsets = [0, 1536], sizes = [1, 3584], strides = [1, 1]} : vector<1x5120xf32> to vector<1x3584xf32>
    %min3A_476 = vector.broadcast %select_n3A_459 : vector<512x1xf32> to vector<512x3584xf32>
    %min3A_477 = vector.broadcast %slice3A_475 : vector<1x3584xf32> to vector<512x3584xf32>
    %min3A_478 = arith.minimumf %min3A_476, %min3A_477 : vector<512x3584xf32>
    %sub3A_479 = arith.subf %min3A_474, %max3A_466 : vector<512x3584xf32>
    %max3A_480 = arith.constant 0.000000e+00 : f32
    %max3A_481 = vector.broadcast %max3A_480 : f32 to vector<512x3584xf32>
    %max3A_482 = arith.maximumf %sub3A_479, %max3A_481 : vector<512x3584xf32>
    %sub3A_483 = arith.subf %min3A_478, %max3A_470 : vector<512x3584xf32>
    %max3A_484 = arith.constant 0.000000e+00 : f32
    %max3A_485 = vector.broadcast %max3A_484 : f32 to vector<512x3584xf32>
    %max3A_486 = arith.maximumf %sub3A_483, %max3A_485 : vector<512x3584xf32>
    %mul3A_487 = arith.mulf %max3A_482, %max3A_486 : vector<512x3584xf32>
    %slice3A_488 = vector.extract_strided_slice %mul3A_82 {offsets = [0, 1536], sizes = [1, 3584], strides = [1, 1]} : vector<1x5120xf32> to vector<1x3584xf32>
    %add3A_489 = vector.broadcast %select_n3A_462 : vector<512x1xf32> to vector<512x3584xf32>
    %add3A_490 = vector.broadcast %slice3A_488 : vector<1x3584xf32> to vector<512x3584xf32>
    %add3A_491 = arith.addf %add3A_489, %add3A_490 : vector<512x3584xf32>
    %sub3A_492 = arith.subf %add3A_491, %mul3A_487 : vector<512x3584xf32>
    %div3A_493 = arith.divf %mul3A_487, %sub3A_492 : vector<512x3584xf32>
    %reduce_max3A_494 = arith.constant dense<0xFF800000> : vector<3584xf32>
    %reduce_max3A_495 = vector.multi_reduction <maximumf>, %div3A_493, %reduce_max3A_494 [0] : vector<512x3584xf32> to vector<3584xf32>
    %broadcast_in_dim3A_496 = vector.shape_cast %reduce_max3A_495 : vector<3584xf32> to vector<1x3584xf32>
    %gt3A_497 = arith.constant 0.699999988 : f32
    %gt3A_498 = vector.broadcast %gt3A_497 : f32 to vector<1x3584xf32>
    %gt3A_499 = arith.cmpf ogt, %broadcast_in_dim3A_496, %gt3A_498 : vector<1x3584xf32>
    %slice3A_500 = vector.extract_strided_slice %concatenate3A_362 {offsets = [0, 1536], sizes = [1, 3584], strides = [1, 1]} : vector<1x5120xf32> to vector<1x3584xf32>
    %jit3A_501 = arith.constant 0.000000e+00 : f32
    %broadcast_in_dim3A_502 = vector.broadcast %jit3A_501 : f32 to vector<1x3584xf32>
    %select_n3A_503 = arith.select %gt3A_499, %broadcast_in_dim3A_502, %slice3A_500 : vector<1x3584xi1>, vector<1x3584xf32>
    %concatenate3A_504 = tpu.concatenate %slice3A_444, %while3A_443#0, %select_n3A_503 in 1 : vector<1x1024xf32>, vector<1x512xf32>, vector<1x3584xf32> -> vector<1x5120xf32>
    %slice3A_505 = vector.extract_strided_slice %sub3A {offsets = [1536, 0], sizes = [512, 1], strides = [1, 1]} : vector<5120x1xf32> to vector<512x1xf32>
    %slice3A_506 = vector.extract_strided_slice %sub3A_27 {offsets = [1536, 0], sizes = [512, 1], strides = [1, 1]} : vector<5120x1xf32> to vector<512x1xf32>
    %slice3A_507 = vector.extract_strided_slice %add3A_31 {offsets = [1536, 0], sizes = [512, 1], strides = [1, 1]} : vector<5120x1xf32> to vector<512x1xf32>
    %slice3A_508 = vector.extract_strided_slice %add3A_35 {offsets = [1536, 0], sizes = [512, 1], strides = [1, 1]} : vector<5120x1xf32> to vector<512x1xf32>
    %slice3A_509 = vector.extract_strided_slice %mul3A_38 {offsets = [1536, 0], sizes = [512, 1], strides = [1, 1]} : vector<5120x1xf32> to vector<512x1xf32>
    %slice3A_510 = vector.extract_strided_slice %sub3A_67 {offsets = [0, 1536], sizes = [1, 512], strides = [1, 1]} : vector<1x5120xf32> to vector<1x512xf32>
    %max3A_511 = vector.broadcast %slice3A_505 : vector<512x1xf32> to vector<512x512xf32>
    %max3A_512 = vector.broadcast %slice3A_510 : vector<1x512xf32> to vector<512x512xf32>
    %max3A_513 = arith.maximumf %max3A_511, %max3A_512 : vector<512x512xf32>
    %slice3A_514 = vector.extract_strided_slice %sub3A_71 {offsets = [0, 1536], sizes = [1, 512], strides = [1, 1]} : vector<1x5120xf32> to vector<1x512xf32>
    %max3A_515 = vector.broadcast %slice3A_506 : vector<512x1xf32> to vector<512x512xf32>
    %max3A_516 = vector.broadcast %slice3A_514 : vector<1x512xf32> to vector<512x512xf32>
    %max3A_517 = arith.maximumf %max3A_515, %max3A_516 : vector<512x512xf32>
    %slice3A_518 = vector.extract_strided_slice %add3A_75 {offsets = [0, 1536], sizes = [1, 512], strides = [1, 1]} : vector<1x5120xf32> to vector<1x512xf32>
    %min3A_519 = vector.broadcast %slice3A_507 : vector<512x1xf32> to vector<512x512xf32>
    %min3A_520 = vector.broadcast %slice3A_518 : vector<1x512xf32> to vector<512x512xf32>
    %min3A_521 = arith.minimumf %min3A_519, %min3A_520 : vector<512x512xf32>
    %slice3A_522 = vector.extract_strided_slice %add3A_79 {offsets = [0, 1536], sizes = [1, 512], strides = [1, 1]} : vector<1x5120xf32> to vector<1x512xf32>
    %min3A_523 = vector.broadcast %slice3A_508 : vector<512x1xf32> to vector<512x512xf32>
    %min3A_524 = vector.broadcast %slice3A_522 : vector<1x512xf32> to vector<512x512xf32>
    %min3A_525 = arith.minimumf %min3A_523, %min3A_524 : vector<512x512xf32>
    %sub3A_526 = arith.subf %min3A_521, %max3A_513 : vector<512x512xf32>
    %max3A_527 = arith.constant 0.000000e+00 : f32
    %max3A_528 = vector.broadcast %max3A_527 : f32 to vector<512x512xf32>
    %max3A_529 = arith.maximumf %sub3A_526, %max3A_528 : vector<512x512xf32>
    %sub3A_530 = arith.subf %min3A_525, %max3A_517 : vector<512x512xf32>
    %max3A_531 = arith.constant 0.000000e+00 : f32
    %max3A_532 = vector.broadcast %max3A_531 : f32 to vector<512x512xf32>
    %max3A_533 = arith.maximumf %sub3A_530, %max3A_532 : vector<512x512xf32>
    %mul3A_534 = arith.mulf %max3A_529, %max3A_533 : vector<512x512xf32>
    %slice3A_535 = vector.extract_strided_slice %mul3A_82 {offsets = [0, 1536], sizes = [1, 512], strides = [1, 1]} : vector<1x5120xf32> to vector<1x512xf32>
    %add3A_536 = vector.broadcast %slice3A_509 : vector<512x1xf32> to vector<512x512xf32>
    %add3A_537 = vector.broadcast %slice3A_535 : vector<1x512xf32> to vector<512x512xf32>
    %add3A_538 = arith.addf %add3A_536, %add3A_537 : vector<512x512xf32>
    %sub3A_539 = arith.subf %add3A_538, %mul3A_534 : vector<512x512xf32>
    %div3A_540 = arith.divf %mul3A_534, %sub3A_539 : vector<512x512xf32>
    %gt3A_541 = arith.constant 0.699999988 : f32
    %gt3A_542 = vector.broadcast %gt3A_541 : f32 to vector<512x512xf32>
    %gt3A_543 = arith.cmpf ogt, %div3A_540, %gt3A_542 : vector<512x512xf32>
    %convert_element_type3A_544 = arith.extui %gt3A_543 : vector<512x512xi1> to vector<512x512xi32>
    %convert_element_type3A_545 = arith.sitofp %convert_element_type3A_544 : vector<512x512xi32> to vector<512x512xf32>
    %mul3A_546 = arith.mulf %convert_element_type3A_545, %convert_element_type3A_84 : vector<512x512xf32>
    %mul3A_547 = arith.mulf %convert_element_type3A_545, %convert_element_type3A_87 : vector<512x512xf32>
    %slice3A_548 = vector.extract_strided_slice %concatenate3A_504 {offsets = [0, 1536], sizes = [1, 512], strides = [1, 1]} : vector<1x5120xf32> to vector<1x512xf32>
    %mul3A_549 = vector.broadcast %slice3A_548 : vector<1x512xf32> to vector<512x512xf32>
    %mul3A_550 = arith.mulf %convert_element_type3A_89, %mul3A_549 : vector<512x512xf32>
    %reduce_max3A_551 = arith.constant dense<0xFF800000> : vector<512xf32>
    %reduce_max3A_552 = vector.multi_reduction <maximumf>, %mul3A_550, %reduce_max3A_551 [1] : vector<512x512xf32> to vector<512xf32>
    %broadcast_in_dim3A_553 = vector.shape_cast %reduce_max3A_552 : vector<512xf32> to vector<512x1xf32>
    %mul3A_554 = vector.broadcast %slice3A_548 : vector<1x512xf32> to vector<512x512xf32>
    %mul3A_555 = arith.mulf %mul3A_546, %mul3A_554 : vector<512x512xf32>
    %reduce_max3A_556 = arith.constant dense<0xFF800000> : vector<512xf32>
    %reduce_max3A_557 = vector.multi_reduction <maximumf>, %mul3A_555, %reduce_max3A_556 [1] : vector<512x512xf32> to vector<512xf32>
    %broadcast_in_dim3A_558 = vector.shape_cast %reduce_max3A_557 : vector<512xf32> to vector<512x1xf32>
    %mul3A_559 = vector.broadcast %broadcast_in_dim3A_553 : vector<512x1xf32> to vector<512x512xf32>
    %mul3A_560 = arith.mulf %mul3A_547, %mul3A_559 : vector<512x512xf32>
    %reduce_max3A_561 = arith.constant dense<0xFF800000> : vector<512xf32>
    %reduce_max3A_562 = vector.multi_reduction <maximumf>, %mul3A_560, %reduce_max3A_561 [0] : vector<512x512xf32> to vector<512xf32>
    %broadcast_in_dim3A_563 = vector.shape_cast %reduce_max3A_562 : vector<512xf32> to vector<1x512xf32>
    %sub3A_564 = arith.constant 1.000000e+00 : f32
    %sub3A_565 = vector.broadcast %sub3A_564 : f32 to vector<512x1xf32>
    %sub3A_566 = arith.subf %sub3A_565, %broadcast_in_dim3A_558 : vector<512x1xf32>
    %mul3A_567 = arith.mulf %broadcast_in_dim3A_553, %sub3A_566 : vector<512x1xf32>
    %sub3A_568 = arith.constant 1.000000e+00 : f32
    %sub3A_569 = vector.broadcast %sub3A_568 : f32 to vector<1x512xf32>
    %sub3A_570 = arith.subf %sub3A_569, %broadcast_in_dim3A_563 : vector<1x512xf32>
    %mul3A_571 = arith.mulf %slice3A_548, %sub3A_570 : vector<1x512xf32>
    %ne3A_572 = arith.cmpf one, %mul3A_571, %slice3A_548 : vector<1x512xf32>
    %reduce_or3A_573 = arith.constant 1.000000e+00 : f32
    %reduce_or3A_574 = arith.constant 0.000000e+00 : f32
    %reduce_or3A_575 = vector.broadcast %reduce_or3A_573 : f32 to vector<1x512xf32>
    %reduce_or3A_576 = vector.broadcast %reduce_or3A_574 : f32 to vector<1x512xf32>
    %reduce_or3A_577 = arith.select %ne3A_572, %reduce_or3A_575, %reduce_or3A_576 : vector<1x512xi1>, vector<1x512xf32>
    %reduce_or3A_578 = vector.shape_cast %reduce_or3A_577 : vector<1x512xf32> to vector<1x1x512xf32>
    %reduce_or3A_579 = arith.constant dense<0xFF800000> : vector<1xf32>
    %reduce_or3A_580 = vector.multi_reduction <maximumf>, %reduce_or3A_578, %reduce_or3A_579 [1, 2] : vector<1x1x512xf32> to vector<1xf32>
    %reduce_or3A_581 = vector.shape_cast %reduce_or3A_580 : vector<1xf32> to vector<1x1x1xf32>
    %reduce_or3A_582 = vector.extract %reduce_or3A_581[0, 0, 0] : f32 from vector<1x1x1xf32>
    %reduce_or3A_583 = arith.constant 0.000000e+00 : f32
    %reduce_or3A_584 = arith.cmpf ogt, %reduce_or3A_582, %reduce_or3A_583 : f32
    %while3A_585:3 = scf.while (%while3A_1467 = %mul3A_571, %while3A_1468 = %mul3A_567, %while3A_1469 = %reduce_or3A_584) : (vector<1x512xf32>, vector<512x1xf32>, i1) -> (vector<1x512xf32>, vector<512x1xf32>, i1) {
      scf.condition(%while3A_1469) %while3A_1467, %while3A_1468, %while3A_1469 : vector<1x512xf32>, vector<512x1xf32>, i1
    } do {
    ^bb0(%while3A_1467: vector<1x512xf32>, %while3A_1468: vector<512x1xf32>, %while3A_1469: i1):
      %mul3A_1470 = vector.broadcast %while3A_1467 : vector<1x512xf32> to vector<512x512xf32>
      %mul3A_1471 = arith.mulf %mul3A_546, %mul3A_1470 : vector<512x512xf32>
      %reduce_max3A_1472 = arith.constant dense<0xFF800000> : vector<512xf32>
      %reduce_max3A_1473 = vector.multi_reduction <maximumf>, %mul3A_1471, %reduce_max3A_1472 [1] : vector<512x512xf32> to vector<512xf32>
      %broadcast_in_dim3A_1474 = vector.shape_cast %reduce_max3A_1473 : vector<512xf32> to vector<512x1xf32>
      %mul3A_1475 = vector.broadcast %while3A_1468 : vector<512x1xf32> to vector<512x512xf32>
      %mul3A_1476 = arith.mulf %mul3A_547, %mul3A_1475 : vector<512x512xf32>
      %reduce_max3A_1477 = arith.constant dense<0xFF800000> : vector<512xf32>
      %reduce_max3A_1478 = vector.multi_reduction <maximumf>, %mul3A_1476, %reduce_max3A_1477 [0] : vector<512x512xf32> to vector<512xf32>
      %broadcast_in_dim3A_1479 = vector.shape_cast %reduce_max3A_1478 : vector<512xf32> to vector<1x512xf32>
      %sub3A_1480 = arith.constant 1.000000e+00 : f32
      %sub3A_1481 = vector.broadcast %sub3A_1480 : f32 to vector<512x1xf32>
      %sub3A_1482 = arith.subf %sub3A_1481, %broadcast_in_dim3A_1474 : vector<512x1xf32>
      %mul3A_1483 = arith.mulf %broadcast_in_dim3A_553, %sub3A_1482 : vector<512x1xf32>
      %sub3A_1484 = arith.constant 1.000000e+00 : f32
      %sub3A_1485 = vector.broadcast %sub3A_1484 : f32 to vector<1x512xf32>
      %sub3A_1486 = arith.subf %sub3A_1485, %broadcast_in_dim3A_1479 : vector<1x512xf32>
      %mul3A_1487 = arith.mulf %slice3A_548, %sub3A_1486 : vector<1x512xf32>
      %ne3A_1488 = arith.cmpf one, %mul3A_1487, %while3A_1467 : vector<1x512xf32>
      %reduce_or3A_1489 = arith.constant 1.000000e+00 : f32
      %reduce_or3A_1490 = arith.constant 0.000000e+00 : f32
      %reduce_or3A_1491 = vector.broadcast %reduce_or3A_1489 : f32 to vector<1x512xf32>
      %reduce_or3A_1492 = vector.broadcast %reduce_or3A_1490 : f32 to vector<1x512xf32>
      %reduce_or3A_1493 = arith.select %ne3A_1488, %reduce_or3A_1491, %reduce_or3A_1492 : vector<1x512xi1>, vector<1x512xf32>
      %reduce_or3A_1494 = vector.shape_cast %reduce_or3A_1493 : vector<1x512xf32> to vector<1x1x512xf32>
      %reduce_or3A_1495 = arith.constant dense<0xFF800000> : vector<1xf32>
      %reduce_or3A_1496 = vector.multi_reduction <maximumf>, %reduce_or3A_1494, %reduce_or3A_1495 [1, 2] : vector<1x1x512xf32> to vector<1xf32>
      %reduce_or3A_1497 = vector.shape_cast %reduce_or3A_1496 : vector<1xf32> to vector<1x1x1xf32>
      %reduce_or3A_1498 = vector.extract %reduce_or3A_1497[0, 0, 0] : f32 from vector<1x1x1xf32>
      %reduce_or3A_1499 = arith.constant 0.000000e+00 : f32
      %reduce_or3A_1500 = arith.cmpf ogt, %reduce_or3A_1498, %reduce_or3A_1499 : f32
      scf.yield %mul3A_1487, %mul3A_1483, %reduce_or3A_1500 : vector<1x512xf32>, vector<512x1xf32>, i1
    }
    %slice3A_586 = vector.extract_strided_slice %concatenate3A_504 {offsets = [0, 0], sizes = [1, 1536], strides = [1, 1]} : vector<1x5120xf32> to vector<1x1536xf32>
    %gt3A_587 = arith.constant 0.000000e+00 : f32
    %gt3A_588 = vector.broadcast %gt3A_587 : f32 to vector<512x1xf32>
    %gt3A_589 = arith.cmpf ogt, %while3A_585#1, %gt3A_588 : vector<512x1xf32>
    %jit3A_590 = arith.constant 4.000000e+09 : f32
    %broadcast_in_dim3A_591 = vector.broadcast %jit3A_590 : f32 to vector<512x1xf32>
    %select_n3A_592 = arith.select %gt3A_589, %slice3A_505, %broadcast_in_dim3A_591 : vector<512x1xi1>, vector<512x1xf32>
    %jit3A_593 = arith.constant 4.000000e+09 : f32
    %broadcast_in_dim3A_594 = vector.broadcast %jit3A_593 : f32 to vector<512x1xf32>
    %select_n3A_595 = arith.select %gt3A_589, %slice3A_506, %broadcast_in_dim3A_594 : vector<512x1xi1>, vector<512x1xf32>
    %jit3A_596 = arith.constant -4.000000e+09 : f32
    %broadcast_in_dim3A_597 = vector.broadcast %jit3A_596 : f32 to vector<512x1xf32>
    %select_n3A_598 = arith.select %gt3A_589, %slice3A_507, %broadcast_in_dim3A_597 : vector<512x1xi1>, vector<512x1xf32>
    %jit3A_599 = arith.constant -4.000000e+09 : f32
    %broadcast_in_dim3A_600 = vector.broadcast %jit3A_599 : f32 to vector<512x1xf32>
    %select_n3A_601 = arith.select %gt3A_589, %slice3A_508, %broadcast_in_dim3A_600 : vector<512x1xi1>, vector<512x1xf32>
    %jit3A_602 = arith.constant 1.000000e+00 : f32
    %broadcast_in_dim3A_603 = vector.broadcast %jit3A_602 : f32 to vector<512x1xf32>
    %select_n3A_604 = arith.select %gt3A_589, %slice3A_509, %broadcast_in_dim3A_603 : vector<512x1xi1>, vector<512x1xf32>
    %slice3A_605 = vector.extract_strided_slice %sub3A_67 {offsets = [0, 2048], sizes = [1, 3072], strides = [1, 1]} : vector<1x5120xf32> to vector<1x3072xf32>
    %max3A_606 = vector.broadcast %select_n3A_592 : vector<512x1xf32> to vector<512x3072xf32>
    %max3A_607 = vector.broadcast %slice3A_605 : vector<1x3072xf32> to vector<512x3072xf32>
    %max3A_608 = arith.maximumf %max3A_606, %max3A_607 : vector<512x3072xf32>
    %slice3A_609 = vector.extract_strided_slice %sub3A_71 {offsets = [0, 2048], sizes = [1, 3072], strides = [1, 1]} : vector<1x5120xf32> to vector<1x3072xf32>
    %max3A_610 = vector.broadcast %select_n3A_595 : vector<512x1xf32> to vector<512x3072xf32>
    %max3A_611 = vector.broadcast %slice3A_609 : vector<1x3072xf32> to vector<512x3072xf32>
    %max3A_612 = arith.maximumf %max3A_610, %max3A_611 : vector<512x3072xf32>
    %slice3A_613 = vector.extract_strided_slice %add3A_75 {offsets = [0, 2048], sizes = [1, 3072], strides = [1, 1]} : vector<1x5120xf32> to vector<1x3072xf32>
    %min3A_614 = vector.broadcast %select_n3A_598 : vector<512x1xf32> to vector<512x3072xf32>
    %min3A_615 = vector.broadcast %slice3A_613 : vector<1x3072xf32> to vector<512x3072xf32>
    %min3A_616 = arith.minimumf %min3A_614, %min3A_615 : vector<512x3072xf32>
    %slice3A_617 = vector.extract_strided_slice %add3A_79 {offsets = [0, 2048], sizes = [1, 3072], strides = [1, 1]} : vector<1x5120xf32> to vector<1x3072xf32>
    %min3A_618 = vector.broadcast %select_n3A_601 : vector<512x1xf32> to vector<512x3072xf32>
    %min3A_619 = vector.broadcast %slice3A_617 : vector<1x3072xf32> to vector<512x3072xf32>
    %min3A_620 = arith.minimumf %min3A_618, %min3A_619 : vector<512x3072xf32>
    %sub3A_621 = arith.subf %min3A_616, %max3A_608 : vector<512x3072xf32>
    %max3A_622 = arith.constant 0.000000e+00 : f32
    %max3A_623 = vector.broadcast %max3A_622 : f32 to vector<512x3072xf32>
    %max3A_624 = arith.maximumf %sub3A_621, %max3A_623 : vector<512x3072xf32>
    %sub3A_625 = arith.subf %min3A_620, %max3A_612 : vector<512x3072xf32>
    %max3A_626 = arith.constant 0.000000e+00 : f32
    %max3A_627 = vector.broadcast %max3A_626 : f32 to vector<512x3072xf32>
    %max3A_628 = arith.maximumf %sub3A_625, %max3A_627 : vector<512x3072xf32>
    %mul3A_629 = arith.mulf %max3A_624, %max3A_628 : vector<512x3072xf32>
    %slice3A_630 = vector.extract_strided_slice %mul3A_82 {offsets = [0, 2048], sizes = [1, 3072], strides = [1, 1]} : vector<1x5120xf32> to vector<1x3072xf32>
    %add3A_631 = vector.broadcast %select_n3A_604 : vector<512x1xf32> to vector<512x3072xf32>
    %add3A_632 = vector.broadcast %slice3A_630 : vector<1x3072xf32> to vector<512x3072xf32>
    %add3A_633 = arith.addf %add3A_631, %add3A_632 : vector<512x3072xf32>
    %sub3A_634 = arith.subf %add3A_633, %mul3A_629 : vector<512x3072xf32>
    %div3A_635 = arith.divf %mul3A_629, %sub3A_634 : vector<512x3072xf32>
    %reduce_max3A_636 = arith.constant dense<0xFF800000> : vector<3072xf32>
    %reduce_max3A_637 = vector.multi_reduction <maximumf>, %div3A_635, %reduce_max3A_636 [0] : vector<512x3072xf32> to vector<3072xf32>
    %broadcast_in_dim3A_638 = vector.shape_cast %reduce_max3A_637 : vector<3072xf32> to vector<1x3072xf32>
    %gt3A_639 = arith.constant 0.699999988 : f32
    %gt3A_640 = vector.broadcast %gt3A_639 : f32 to vector<1x3072xf32>
    %gt3A_641 = arith.cmpf ogt, %broadcast_in_dim3A_638, %gt3A_640 : vector<1x3072xf32>
    %slice3A_642 = vector.extract_strided_slice %concatenate3A_504 {offsets = [0, 2048], sizes = [1, 3072], strides = [1, 1]} : vector<1x5120xf32> to vector<1x3072xf32>
    %jit3A_643 = arith.constant 0.000000e+00 : f32
    %broadcast_in_dim3A_644 = vector.broadcast %jit3A_643 : f32 to vector<1x3072xf32>
    %select_n3A_645 = arith.select %gt3A_641, %broadcast_in_dim3A_644, %slice3A_642 : vector<1x3072xi1>, vector<1x3072xf32>
    %concatenate3A_646 = tpu.concatenate %slice3A_586, %while3A_585#0, %select_n3A_645 in 1 : vector<1x1536xf32>, vector<1x512xf32>, vector<1x3072xf32> -> vector<1x5120xf32>
    %slice3A_647 = vector.extract_strided_slice %sub3A {offsets = [2048, 0], sizes = [512, 1], strides = [1, 1]} : vector<5120x1xf32> to vector<512x1xf32>
    %slice3A_648 = vector.extract_strided_slice %sub3A_27 {offsets = [2048, 0], sizes = [512, 1], strides = [1, 1]} : vector<5120x1xf32> to vector<512x1xf32>
    %slice3A_649 = vector.extract_strided_slice %add3A_31 {offsets = [2048, 0], sizes = [512, 1], strides = [1, 1]} : vector<5120x1xf32> to vector<512x1xf32>
    %slice3A_650 = vector.extract_strided_slice %add3A_35 {offsets = [2048, 0], sizes = [512, 1], strides = [1, 1]} : vector<5120x1xf32> to vector<512x1xf32>
    %slice3A_651 = vector.extract_strided_slice %mul3A_38 {offsets = [2048, 0], sizes = [512, 1], strides = [1, 1]} : vector<5120x1xf32> to vector<512x1xf32>
    %slice3A_652 = vector.extract_strided_slice %sub3A_67 {offsets = [0, 2048], sizes = [1, 512], strides = [1, 1]} : vector<1x5120xf32> to vector<1x512xf32>
    %max3A_653 = vector.broadcast %slice3A_647 : vector<512x1xf32> to vector<512x512xf32>
    %max3A_654 = vector.broadcast %slice3A_652 : vector<1x512xf32> to vector<512x512xf32>
    %max3A_655 = arith.maximumf %max3A_653, %max3A_654 : vector<512x512xf32>
    %slice3A_656 = vector.extract_strided_slice %sub3A_71 {offsets = [0, 2048], sizes = [1, 512], strides = [1, 1]} : vector<1x5120xf32> to vector<1x512xf32>
    %max3A_657 = vector.broadcast %slice3A_648 : vector<512x1xf32> to vector<512x512xf32>
    %max3A_658 = vector.broadcast %slice3A_656 : vector<1x512xf32> to vector<512x512xf32>
    %max3A_659 = arith.maximumf %max3A_657, %max3A_658 : vector<512x512xf32>
    %slice3A_660 = vector.extract_strided_slice %add3A_75 {offsets = [0, 2048], sizes = [1, 512], strides = [1, 1]} : vector<1x5120xf32> to vector<1x512xf32>
    %min3A_661 = vector.broadcast %slice3A_649 : vector<512x1xf32> to vector<512x512xf32>
    %min3A_662 = vector.broadcast %slice3A_660 : vector<1x512xf32> to vector<512x512xf32>
    %min3A_663 = arith.minimumf %min3A_661, %min3A_662 : vector<512x512xf32>
    %slice3A_664 = vector.extract_strided_slice %add3A_79 {offsets = [0, 2048], sizes = [1, 512], strides = [1, 1]} : vector<1x5120xf32> to vector<1x512xf32>
    %min3A_665 = vector.broadcast %slice3A_650 : vector<512x1xf32> to vector<512x512xf32>
    %min3A_666 = vector.broadcast %slice3A_664 : vector<1x512xf32> to vector<512x512xf32>
    %min3A_667 = arith.minimumf %min3A_665, %min3A_666 : vector<512x512xf32>
    %sub3A_668 = arith.subf %min3A_663, %max3A_655 : vector<512x512xf32>
    %max3A_669 = arith.constant 0.000000e+00 : f32
    %max3A_670 = vector.broadcast %max3A_669 : f32 to vector<512x512xf32>
    %max3A_671 = arith.maximumf %sub3A_668, %max3A_670 : vector<512x512xf32>
    %sub3A_672 = arith.subf %min3A_667, %max3A_659 : vector<512x512xf32>
    %max3A_673 = arith.constant 0.000000e+00 : f32
    %max3A_674 = vector.broadcast %max3A_673 : f32 to vector<512x512xf32>
    %max3A_675 = arith.maximumf %sub3A_672, %max3A_674 : vector<512x512xf32>
    %mul3A_676 = arith.mulf %max3A_671, %max3A_675 : vector<512x512xf32>
    %slice3A_677 = vector.extract_strided_slice %mul3A_82 {offsets = [0, 2048], sizes = [1, 512], strides = [1, 1]} : vector<1x5120xf32> to vector<1x512xf32>
    %add3A_678 = vector.broadcast %slice3A_651 : vector<512x1xf32> to vector<512x512xf32>
    %add3A_679 = vector.broadcast %slice3A_677 : vector<1x512xf32> to vector<512x512xf32>
    %add3A_680 = arith.addf %add3A_678, %add3A_679 : vector<512x512xf32>
    %sub3A_681 = arith.subf %add3A_680, %mul3A_676 : vector<512x512xf32>
    %div3A_682 = arith.divf %mul3A_676, %sub3A_681 : vector<512x512xf32>
    %gt3A_683 = arith.constant 0.699999988 : f32
    %gt3A_684 = vector.broadcast %gt3A_683 : f32 to vector<512x512xf32>
    %gt3A_685 = arith.cmpf ogt, %div3A_682, %gt3A_684 : vector<512x512xf32>
    %convert_element_type3A_686 = arith.extui %gt3A_685 : vector<512x512xi1> to vector<512x512xi32>
    %convert_element_type3A_687 = arith.sitofp %convert_element_type3A_686 : vector<512x512xi32> to vector<512x512xf32>
    %mul3A_688 = arith.mulf %convert_element_type3A_687, %convert_element_type3A_84 : vector<512x512xf32>
    %mul3A_689 = arith.mulf %convert_element_type3A_687, %convert_element_type3A_87 : vector<512x512xf32>
    %slice3A_690 = vector.extract_strided_slice %concatenate3A_646 {offsets = [0, 2048], sizes = [1, 512], strides = [1, 1]} : vector<1x5120xf32> to vector<1x512xf32>
    %mul3A_691 = vector.broadcast %slice3A_690 : vector<1x512xf32> to vector<512x512xf32>
    %mul3A_692 = arith.mulf %convert_element_type3A_89, %mul3A_691 : vector<512x512xf32>
    %reduce_max3A_693 = arith.constant dense<0xFF800000> : vector<512xf32>
    %reduce_max3A_694 = vector.multi_reduction <maximumf>, %mul3A_692, %reduce_max3A_693 [1] : vector<512x512xf32> to vector<512xf32>
    %broadcast_in_dim3A_695 = vector.shape_cast %reduce_max3A_694 : vector<512xf32> to vector<512x1xf32>
    %mul3A_696 = vector.broadcast %slice3A_690 : vector<1x512xf32> to vector<512x512xf32>
    %mul3A_697 = arith.mulf %mul3A_688, %mul3A_696 : vector<512x512xf32>
    %reduce_max3A_698 = arith.constant dense<0xFF800000> : vector<512xf32>
    %reduce_max3A_699 = vector.multi_reduction <maximumf>, %mul3A_697, %reduce_max3A_698 [1] : vector<512x512xf32> to vector<512xf32>
    %broadcast_in_dim3A_700 = vector.shape_cast %reduce_max3A_699 : vector<512xf32> to vector<512x1xf32>
    %mul3A_701 = vector.broadcast %broadcast_in_dim3A_695 : vector<512x1xf32> to vector<512x512xf32>
    %mul3A_702 = arith.mulf %mul3A_689, %mul3A_701 : vector<512x512xf32>
    %reduce_max3A_703 = arith.constant dense<0xFF800000> : vector<512xf32>
    %reduce_max3A_704 = vector.multi_reduction <maximumf>, %mul3A_702, %reduce_max3A_703 [0] : vector<512x512xf32> to vector<512xf32>
    %broadcast_in_dim3A_705 = vector.shape_cast %reduce_max3A_704 : vector<512xf32> to vector<1x512xf32>
    %sub3A_706 = arith.constant 1.000000e+00 : f32
    %sub3A_707 = vector.broadcast %sub3A_706 : f32 to vector<512x1xf32>
    %sub3A_708 = arith.subf %sub3A_707, %broadcast_in_dim3A_700 : vector<512x1xf32>
    %mul3A_709 = arith.mulf %broadcast_in_dim3A_695, %sub3A_708 : vector<512x1xf32>
    %sub3A_710 = arith.constant 1.000000e+00 : f32
    %sub3A_711 = vector.broadcast %sub3A_710 : f32 to vector<1x512xf32>
    %sub3A_712 = arith.subf %sub3A_711, %broadcast_in_dim3A_705 : vector<1x512xf32>
    %mul3A_713 = arith.mulf %slice3A_690, %sub3A_712 : vector<1x512xf32>
    %ne3A_714 = arith.cmpf one, %mul3A_713, %slice3A_690 : vector<1x512xf32>
    %reduce_or3A_715 = arith.constant 1.000000e+00 : f32
    %reduce_or3A_716 = arith.constant 0.000000e+00 : f32
    %reduce_or3A_717 = vector.broadcast %reduce_or3A_715 : f32 to vector<1x512xf32>
    %reduce_or3A_718 = vector.broadcast %reduce_or3A_716 : f32 to vector<1x512xf32>
    %reduce_or3A_719 = arith.select %ne3A_714, %reduce_or3A_717, %reduce_or3A_718 : vector<1x512xi1>, vector<1x512xf32>
    %reduce_or3A_720 = vector.shape_cast %reduce_or3A_719 : vector<1x512xf32> to vector<1x1x512xf32>
    %reduce_or3A_721 = arith.constant dense<0xFF800000> : vector<1xf32>
    %reduce_or3A_722 = vector.multi_reduction <maximumf>, %reduce_or3A_720, %reduce_or3A_721 [1, 2] : vector<1x1x512xf32> to vector<1xf32>
    %reduce_or3A_723 = vector.shape_cast %reduce_or3A_722 : vector<1xf32> to vector<1x1x1xf32>
    %reduce_or3A_724 = vector.extract %reduce_or3A_723[0, 0, 0] : f32 from vector<1x1x1xf32>
    %reduce_or3A_725 = arith.constant 0.000000e+00 : f32
    %reduce_or3A_726 = arith.cmpf ogt, %reduce_or3A_724, %reduce_or3A_725 : f32
    %while3A_727:3 = scf.while (%while3A_1467 = %mul3A_713, %while3A_1468 = %mul3A_709, %while3A_1469 = %reduce_or3A_726) : (vector<1x512xf32>, vector<512x1xf32>, i1) -> (vector<1x512xf32>, vector<512x1xf32>, i1) {
      scf.condition(%while3A_1469) %while3A_1467, %while3A_1468, %while3A_1469 : vector<1x512xf32>, vector<512x1xf32>, i1
    } do {
    ^bb0(%while3A_1467: vector<1x512xf32>, %while3A_1468: vector<512x1xf32>, %while3A_1469: i1):
      %mul3A_1470 = vector.broadcast %while3A_1467 : vector<1x512xf32> to vector<512x512xf32>
      %mul3A_1471 = arith.mulf %mul3A_688, %mul3A_1470 : vector<512x512xf32>
      %reduce_max3A_1472 = arith.constant dense<0xFF800000> : vector<512xf32>
      %reduce_max3A_1473 = vector.multi_reduction <maximumf>, %mul3A_1471, %reduce_max3A_1472 [1] : vector<512x512xf32> to vector<512xf32>
      %broadcast_in_dim3A_1474 = vector.shape_cast %reduce_max3A_1473 : vector<512xf32> to vector<512x1xf32>
      %mul3A_1475 = vector.broadcast %while3A_1468 : vector<512x1xf32> to vector<512x512xf32>
      %mul3A_1476 = arith.mulf %mul3A_689, %mul3A_1475 : vector<512x512xf32>
      %reduce_max3A_1477 = arith.constant dense<0xFF800000> : vector<512xf32>
      %reduce_max3A_1478 = vector.multi_reduction <maximumf>, %mul3A_1476, %reduce_max3A_1477 [0] : vector<512x512xf32> to vector<512xf32>
      %broadcast_in_dim3A_1479 = vector.shape_cast %reduce_max3A_1478 : vector<512xf32> to vector<1x512xf32>
      %sub3A_1480 = arith.constant 1.000000e+00 : f32
      %sub3A_1481 = vector.broadcast %sub3A_1480 : f32 to vector<512x1xf32>
      %sub3A_1482 = arith.subf %sub3A_1481, %broadcast_in_dim3A_1474 : vector<512x1xf32>
      %mul3A_1483 = arith.mulf %broadcast_in_dim3A_695, %sub3A_1482 : vector<512x1xf32>
      %sub3A_1484 = arith.constant 1.000000e+00 : f32
      %sub3A_1485 = vector.broadcast %sub3A_1484 : f32 to vector<1x512xf32>
      %sub3A_1486 = arith.subf %sub3A_1485, %broadcast_in_dim3A_1479 : vector<1x512xf32>
      %mul3A_1487 = arith.mulf %slice3A_690, %sub3A_1486 : vector<1x512xf32>
      %ne3A_1488 = arith.cmpf one, %mul3A_1487, %while3A_1467 : vector<1x512xf32>
      %reduce_or3A_1489 = arith.constant 1.000000e+00 : f32
      %reduce_or3A_1490 = arith.constant 0.000000e+00 : f32
      %reduce_or3A_1491 = vector.broadcast %reduce_or3A_1489 : f32 to vector<1x512xf32>
      %reduce_or3A_1492 = vector.broadcast %reduce_or3A_1490 : f32 to vector<1x512xf32>
      %reduce_or3A_1493 = arith.select %ne3A_1488, %reduce_or3A_1491, %reduce_or3A_1492 : vector<1x512xi1>, vector<1x512xf32>
      %reduce_or3A_1494 = vector.shape_cast %reduce_or3A_1493 : vector<1x512xf32> to vector<1x1x512xf32>
      %reduce_or3A_1495 = arith.constant dense<0xFF800000> : vector<1xf32>
      %reduce_or3A_1496 = vector.multi_reduction <maximumf>, %reduce_or3A_1494, %reduce_or3A_1495 [1, 2] : vector<1x1x512xf32> to vector<1xf32>
      %reduce_or3A_1497 = vector.shape_cast %reduce_or3A_1496 : vector<1xf32> to vector<1x1x1xf32>
      %reduce_or3A_1498 = vector.extract %reduce_or3A_1497[0, 0, 0] : f32 from vector<1x1x1xf32>
      %reduce_or3A_1499 = arith.constant 0.000000e+00 : f32
      %reduce_or3A_1500 = arith.cmpf ogt, %reduce_or3A_1498, %reduce_or3A_1499 : f32
      scf.yield %mul3A_1487, %mul3A_1483, %reduce_or3A_1500 : vector<1x512xf32>, vector<512x1xf32>, i1
    }
    %slice3A_728 = vector.extract_strided_slice %concatenate3A_646 {offsets = [0, 0], sizes = [1, 2048], strides = [1, 1]} : vector<1x5120xf32> to vector<1x2048xf32>
    %gt3A_729 = arith.constant 0.000000e+00 : f32
    %gt3A_730 = vector.broadcast %gt3A_729 : f32 to vector<512x1xf32>
    %gt3A_731 = arith.cmpf ogt, %while3A_727#1, %gt3A_730 : vector<512x1xf32>
    %jit3A_732 = arith.constant 4.000000e+09 : f32
    %broadcast_in_dim3A_733 = vector.broadcast %jit3A_732 : f32 to vector<512x1xf32>
    %select_n3A_734 = arith.select %gt3A_731, %slice3A_647, %broadcast_in_dim3A_733 : vector<512x1xi1>, vector<512x1xf32>
    %jit3A_735 = arith.constant 4.000000e+09 : f32
    %broadcast_in_dim3A_736 = vector.broadcast %jit3A_735 : f32 to vector<512x1xf32>
    %select_n3A_737 = arith.select %gt3A_731, %slice3A_648, %broadcast_in_dim3A_736 : vector<512x1xi1>, vector<512x1xf32>
    %jit3A_738 = arith.constant -4.000000e+09 : f32
    %broadcast_in_dim3A_739 = vector.broadcast %jit3A_738 : f32 to vector<512x1xf32>
    %select_n3A_740 = arith.select %gt3A_731, %slice3A_649, %broadcast_in_dim3A_739 : vector<512x1xi1>, vector<512x1xf32>
    %jit3A_741 = arith.constant -4.000000e+09 : f32
    %broadcast_in_dim3A_742 = vector.broadcast %jit3A_741 : f32 to vector<512x1xf32>
    %select_n3A_743 = arith.select %gt3A_731, %slice3A_650, %broadcast_in_dim3A_742 : vector<512x1xi1>, vector<512x1xf32>
    %jit3A_744 = arith.constant 1.000000e+00 : f32
    %broadcast_in_dim3A_745 = vector.broadcast %jit3A_744 : f32 to vector<512x1xf32>
    %select_n3A_746 = arith.select %gt3A_731, %slice3A_651, %broadcast_in_dim3A_745 : vector<512x1xi1>, vector<512x1xf32>
    %slice3A_747 = vector.extract_strided_slice %sub3A_67 {offsets = [0, 2560], sizes = [1, 2560], strides = [1, 1]} : vector<1x5120xf32> to vector<1x2560xf32>
    %max3A_748 = vector.broadcast %select_n3A_734 : vector<512x1xf32> to vector<512x2560xf32>
    %max3A_749 = vector.broadcast %slice3A_747 : vector<1x2560xf32> to vector<512x2560xf32>
    %max3A_750 = arith.maximumf %max3A_748, %max3A_749 : vector<512x2560xf32>
    %slice3A_751 = vector.extract_strided_slice %sub3A_71 {offsets = [0, 2560], sizes = [1, 2560], strides = [1, 1]} : vector<1x5120xf32> to vector<1x2560xf32>
    %max3A_752 = vector.broadcast %select_n3A_737 : vector<512x1xf32> to vector<512x2560xf32>
    %max3A_753 = vector.broadcast %slice3A_751 : vector<1x2560xf32> to vector<512x2560xf32>
    %max3A_754 = arith.maximumf %max3A_752, %max3A_753 : vector<512x2560xf32>
    %slice3A_755 = vector.extract_strided_slice %add3A_75 {offsets = [0, 2560], sizes = [1, 2560], strides = [1, 1]} : vector<1x5120xf32> to vector<1x2560xf32>
    %min3A_756 = vector.broadcast %select_n3A_740 : vector<512x1xf32> to vector<512x2560xf32>
    %min3A_757 = vector.broadcast %slice3A_755 : vector<1x2560xf32> to vector<512x2560xf32>
    %min3A_758 = arith.minimumf %min3A_756, %min3A_757 : vector<512x2560xf32>
    %slice3A_759 = vector.extract_strided_slice %add3A_79 {offsets = [0, 2560], sizes = [1, 2560], strides = [1, 1]} : vector<1x5120xf32> to vector<1x2560xf32>
    %min3A_760 = vector.broadcast %select_n3A_743 : vector<512x1xf32> to vector<512x2560xf32>
    %min3A_761 = vector.broadcast %slice3A_759 : vector<1x2560xf32> to vector<512x2560xf32>
    %min3A_762 = arith.minimumf %min3A_760, %min3A_761 : vector<512x2560xf32>
    %sub3A_763 = arith.subf %min3A_758, %max3A_750 : vector<512x2560xf32>
    %max3A_764 = arith.constant 0.000000e+00 : f32
    %max3A_765 = vector.broadcast %max3A_764 : f32 to vector<512x2560xf32>
    %max3A_766 = arith.maximumf %sub3A_763, %max3A_765 : vector<512x2560xf32>
    %sub3A_767 = arith.subf %min3A_762, %max3A_754 : vector<512x2560xf32>
    %max3A_768 = arith.constant 0.000000e+00 : f32
    %max3A_769 = vector.broadcast %max3A_768 : f32 to vector<512x2560xf32>
    %max3A_770 = arith.maximumf %sub3A_767, %max3A_769 : vector<512x2560xf32>
    %mul3A_771 = arith.mulf %max3A_766, %max3A_770 : vector<512x2560xf32>
    %slice3A_772 = vector.extract_strided_slice %mul3A_82 {offsets = [0, 2560], sizes = [1, 2560], strides = [1, 1]} : vector<1x5120xf32> to vector<1x2560xf32>
    %add3A_773 = vector.broadcast %select_n3A_746 : vector<512x1xf32> to vector<512x2560xf32>
    %add3A_774 = vector.broadcast %slice3A_772 : vector<1x2560xf32> to vector<512x2560xf32>
    %add3A_775 = arith.addf %add3A_773, %add3A_774 : vector<512x2560xf32>
    %sub3A_776 = arith.subf %add3A_775, %mul3A_771 : vector<512x2560xf32>
    %div3A_777 = arith.divf %mul3A_771, %sub3A_776 : vector<512x2560xf32>
    %reduce_max3A_778 = arith.constant dense<0xFF800000> : vector<2560xf32>
    %reduce_max3A_779 = vector.multi_reduction <maximumf>, %div3A_777, %reduce_max3A_778 [0] : vector<512x2560xf32> to vector<2560xf32>
    %broadcast_in_dim3A_780 = vector.shape_cast %reduce_max3A_779 : vector<2560xf32> to vector<1x2560xf32>
    %gt3A_781 = arith.constant 0.699999988 : f32
    %gt3A_782 = vector.broadcast %gt3A_781 : f32 to vector<1x2560xf32>
    %gt3A_783 = arith.cmpf ogt, %broadcast_in_dim3A_780, %gt3A_782 : vector<1x2560xf32>
    %slice3A_784 = vector.extract_strided_slice %concatenate3A_646 {offsets = [0, 2560], sizes = [1, 2560], strides = [1, 1]} : vector<1x5120xf32> to vector<1x2560xf32>
    %jit3A_785 = arith.constant 0.000000e+00 : f32
    %broadcast_in_dim3A_786 = vector.broadcast %jit3A_785 : f32 to vector<1x2560xf32>
    %select_n3A_787 = arith.select %gt3A_783, %broadcast_in_dim3A_786, %slice3A_784 : vector<1x2560xi1>, vector<1x2560xf32>
    %concatenate3A_788 = tpu.concatenate %slice3A_728, %while3A_727#0, %select_n3A_787 in 1 : vector<1x2048xf32>, vector<1x512xf32>, vector<1x2560xf32> -> vector<1x5120xf32>
    %slice3A_789 = vector.extract_strided_slice %sub3A {offsets = [2560, 0], sizes = [512, 1], strides = [1, 1]} : vector<5120x1xf32> to vector<512x1xf32>
    %slice3A_790 = vector.extract_strided_slice %sub3A_27 {offsets = [2560, 0], sizes = [512, 1], strides = [1, 1]} : vector<5120x1xf32> to vector<512x1xf32>
    %slice3A_791 = vector.extract_strided_slice %add3A_31 {offsets = [2560, 0], sizes = [512, 1], strides = [1, 1]} : vector<5120x1xf32> to vector<512x1xf32>
    %slice3A_792 = vector.extract_strided_slice %add3A_35 {offsets = [2560, 0], sizes = [512, 1], strides = [1, 1]} : vector<5120x1xf32> to vector<512x1xf32>
    %slice3A_793 = vector.extract_strided_slice %mul3A_38 {offsets = [2560, 0], sizes = [512, 1], strides = [1, 1]} : vector<5120x1xf32> to vector<512x1xf32>
    %slice3A_794 = vector.extract_strided_slice %sub3A_67 {offsets = [0, 2560], sizes = [1, 512], strides = [1, 1]} : vector<1x5120xf32> to vector<1x512xf32>
    %max3A_795 = vector.broadcast %slice3A_789 : vector<512x1xf32> to vector<512x512xf32>
    %max3A_796 = vector.broadcast %slice3A_794 : vector<1x512xf32> to vector<512x512xf32>
    %max3A_797 = arith.maximumf %max3A_795, %max3A_796 : vector<512x512xf32>
    %slice3A_798 = vector.extract_strided_slice %sub3A_71 {offsets = [0, 2560], sizes = [1, 512], strides = [1, 1]} : vector<1x5120xf32> to vector<1x512xf32>
    %max3A_799 = vector.broadcast %slice3A_790 : vector<512x1xf32> to vector<512x512xf32>
    %max3A_800 = vector.broadcast %slice3A_798 : vector<1x512xf32> to vector<512x512xf32>
    %max3A_801 = arith.maximumf %max3A_799, %max3A_800 : vector<512x512xf32>
    %slice3A_802 = vector.extract_strided_slice %add3A_75 {offsets = [0, 2560], sizes = [1, 512], strides = [1, 1]} : vector<1x5120xf32> to vector<1x512xf32>
    %min3A_803 = vector.broadcast %slice3A_791 : vector<512x1xf32> to vector<512x512xf32>
    %min3A_804 = vector.broadcast %slice3A_802 : vector<1x512xf32> to vector<512x512xf32>
    %min3A_805 = arith.minimumf %min3A_803, %min3A_804 : vector<512x512xf32>
    %slice3A_806 = vector.extract_strided_slice %add3A_79 {offsets = [0, 2560], sizes = [1, 512], strides = [1, 1]} : vector<1x5120xf32> to vector<1x512xf32>
    %min3A_807 = vector.broadcast %slice3A_792 : vector<512x1xf32> to vector<512x512xf32>
    %min3A_808 = vector.broadcast %slice3A_806 : vector<1x512xf32> to vector<512x512xf32>
    %min3A_809 = arith.minimumf %min3A_807, %min3A_808 : vector<512x512xf32>
    %sub3A_810 = arith.subf %min3A_805, %max3A_797 : vector<512x512xf32>
    %max3A_811 = arith.constant 0.000000e+00 : f32
    %max3A_812 = vector.broadcast %max3A_811 : f32 to vector<512x512xf32>
    %max3A_813 = arith.maximumf %sub3A_810, %max3A_812 : vector<512x512xf32>
    %sub3A_814 = arith.subf %min3A_809, %max3A_801 : vector<512x512xf32>
    %max3A_815 = arith.constant 0.000000e+00 : f32
    %max3A_816 = vector.broadcast %max3A_815 : f32 to vector<512x512xf32>
    %max3A_817 = arith.maximumf %sub3A_814, %max3A_816 : vector<512x512xf32>
    %mul3A_818 = arith.mulf %max3A_813, %max3A_817 : vector<512x512xf32>
    %slice3A_819 = vector.extract_strided_slice %mul3A_82 {offsets = [0, 2560], sizes = [1, 512], strides = [1, 1]} : vector<1x5120xf32> to vector<1x512xf32>
    %add3A_820 = vector.broadcast %slice3A_793 : vector<512x1xf32> to vector<512x512xf32>
    %add3A_821 = vector.broadcast %slice3A_819 : vector<1x512xf32> to vector<512x512xf32>
    %add3A_822 = arith.addf %add3A_820, %add3A_821 : vector<512x512xf32>
    %sub3A_823 = arith.subf %add3A_822, %mul3A_818 : vector<512x512xf32>
    %div3A_824 = arith.divf %mul3A_818, %sub3A_823 : vector<512x512xf32>
    %gt3A_825 = arith.constant 0.699999988 : f32
    %gt3A_826 = vector.broadcast %gt3A_825 : f32 to vector<512x512xf32>
    %gt3A_827 = arith.cmpf ogt, %div3A_824, %gt3A_826 : vector<512x512xf32>
    %convert_element_type3A_828 = arith.extui %gt3A_827 : vector<512x512xi1> to vector<512x512xi32>
    %convert_element_type3A_829 = arith.sitofp %convert_element_type3A_828 : vector<512x512xi32> to vector<512x512xf32>
    %mul3A_830 = arith.mulf %convert_element_type3A_829, %convert_element_type3A_84 : vector<512x512xf32>
    %mul3A_831 = arith.mulf %convert_element_type3A_829, %convert_element_type3A_87 : vector<512x512xf32>
    %slice3A_832 = vector.extract_strided_slice %concatenate3A_788 {offsets = [0, 2560], sizes = [1, 512], strides = [1, 1]} : vector<1x5120xf32> to vector<1x512xf32>
    %mul3A_833 = vector.broadcast %slice3A_832 : vector<1x512xf32> to vector<512x512xf32>
    %mul3A_834 = arith.mulf %convert_element_type3A_89, %mul3A_833 : vector<512x512xf32>
    %reduce_max3A_835 = arith.constant dense<0xFF800000> : vector<512xf32>
    %reduce_max3A_836 = vector.multi_reduction <maximumf>, %mul3A_834, %reduce_max3A_835 [1] : vector<512x512xf32> to vector<512xf32>
    %broadcast_in_dim3A_837 = vector.shape_cast %reduce_max3A_836 : vector<512xf32> to vector<512x1xf32>
    %mul3A_838 = vector.broadcast %slice3A_832 : vector<1x512xf32> to vector<512x512xf32>
    %mul3A_839 = arith.mulf %mul3A_830, %mul3A_838 : vector<512x512xf32>
    %reduce_max3A_840 = arith.constant dense<0xFF800000> : vector<512xf32>
    %reduce_max3A_841 = vector.multi_reduction <maximumf>, %mul3A_839, %reduce_max3A_840 [1] : vector<512x512xf32> to vector<512xf32>
    %broadcast_in_dim3A_842 = vector.shape_cast %reduce_max3A_841 : vector<512xf32> to vector<512x1xf32>
    %mul3A_843 = vector.broadcast %broadcast_in_dim3A_837 : vector<512x1xf32> to vector<512x512xf32>
    %mul3A_844 = arith.mulf %mul3A_831, %mul3A_843 : vector<512x512xf32>
    %reduce_max3A_845 = arith.constant dense<0xFF800000> : vector<512xf32>
    %reduce_max3A_846 = vector.multi_reduction <maximumf>, %mul3A_844, %reduce_max3A_845 [0] : vector<512x512xf32> to vector<512xf32>
    %broadcast_in_dim3A_847 = vector.shape_cast %reduce_max3A_846 : vector<512xf32> to vector<1x512xf32>
    %sub3A_848 = arith.constant 1.000000e+00 : f32
    %sub3A_849 = vector.broadcast %sub3A_848 : f32 to vector<512x1xf32>
    %sub3A_850 = arith.subf %sub3A_849, %broadcast_in_dim3A_842 : vector<512x1xf32>
    %mul3A_851 = arith.mulf %broadcast_in_dim3A_837, %sub3A_850 : vector<512x1xf32>
    %sub3A_852 = arith.constant 1.000000e+00 : f32
    %sub3A_853 = vector.broadcast %sub3A_852 : f32 to vector<1x512xf32>
    %sub3A_854 = arith.subf %sub3A_853, %broadcast_in_dim3A_847 : vector<1x512xf32>
    %mul3A_855 = arith.mulf %slice3A_832, %sub3A_854 : vector<1x512xf32>
    %ne3A_856 = arith.cmpf one, %mul3A_855, %slice3A_832 : vector<1x512xf32>
    %reduce_or3A_857 = arith.constant 1.000000e+00 : f32
    %reduce_or3A_858 = arith.constant 0.000000e+00 : f32
    %reduce_or3A_859 = vector.broadcast %reduce_or3A_857 : f32 to vector<1x512xf32>
    %reduce_or3A_860 = vector.broadcast %reduce_or3A_858 : f32 to vector<1x512xf32>
    %reduce_or3A_861 = arith.select %ne3A_856, %reduce_or3A_859, %reduce_or3A_860 : vector<1x512xi1>, vector<1x512xf32>
    %reduce_or3A_862 = vector.shape_cast %reduce_or3A_861 : vector<1x512xf32> to vector<1x1x512xf32>
    %reduce_or3A_863 = arith.constant dense<0xFF800000> : vector<1xf32>
    %reduce_or3A_864 = vector.multi_reduction <maximumf>, %reduce_or3A_862, %reduce_or3A_863 [1, 2] : vector<1x1x512xf32> to vector<1xf32>
    %reduce_or3A_865 = vector.shape_cast %reduce_or3A_864 : vector<1xf32> to vector<1x1x1xf32>
    %reduce_or3A_866 = vector.extract %reduce_or3A_865[0, 0, 0] : f32 from vector<1x1x1xf32>
    %reduce_or3A_867 = arith.constant 0.000000e+00 : f32
    %reduce_or3A_868 = arith.cmpf ogt, %reduce_or3A_866, %reduce_or3A_867 : f32
    %while3A_869:3 = scf.while (%while3A_1467 = %mul3A_855, %while3A_1468 = %mul3A_851, %while3A_1469 = %reduce_or3A_868) : (vector<1x512xf32>, vector<512x1xf32>, i1) -> (vector<1x512xf32>, vector<512x1xf32>, i1) {
      scf.condition(%while3A_1469) %while3A_1467, %while3A_1468, %while3A_1469 : vector<1x512xf32>, vector<512x1xf32>, i1
    } do {
    ^bb0(%while3A_1467: vector<1x512xf32>, %while3A_1468: vector<512x1xf32>, %while3A_1469: i1):
      %mul3A_1470 = vector.broadcast %while3A_1467 : vector<1x512xf32> to vector<512x512xf32>
      %mul3A_1471 = arith.mulf %mul3A_830, %mul3A_1470 : vector<512x512xf32>
      %reduce_max3A_1472 = arith.constant dense<0xFF800000> : vector<512xf32>
      %reduce_max3A_1473 = vector.multi_reduction <maximumf>, %mul3A_1471, %reduce_max3A_1472 [1] : vector<512x512xf32> to vector<512xf32>
      %broadcast_in_dim3A_1474 = vector.shape_cast %reduce_max3A_1473 : vector<512xf32> to vector<512x1xf32>
      %mul3A_1475 = vector.broadcast %while3A_1468 : vector<512x1xf32> to vector<512x512xf32>
      %mul3A_1476 = arith.mulf %mul3A_831, %mul3A_1475 : vector<512x512xf32>
      %reduce_max3A_1477 = arith.constant dense<0xFF800000> : vector<512xf32>
      %reduce_max3A_1478 = vector.multi_reduction <maximumf>, %mul3A_1476, %reduce_max3A_1477 [0] : vector<512x512xf32> to vector<512xf32>
      %broadcast_in_dim3A_1479 = vector.shape_cast %reduce_max3A_1478 : vector<512xf32> to vector<1x512xf32>
      %sub3A_1480 = arith.constant 1.000000e+00 : f32
      %sub3A_1481 = vector.broadcast %sub3A_1480 : f32 to vector<512x1xf32>
      %sub3A_1482 = arith.subf %sub3A_1481, %broadcast_in_dim3A_1474 : vector<512x1xf32>
      %mul3A_1483 = arith.mulf %broadcast_in_dim3A_837, %sub3A_1482 : vector<512x1xf32>
      %sub3A_1484 = arith.constant 1.000000e+00 : f32
      %sub3A_1485 = vector.broadcast %sub3A_1484 : f32 to vector<1x512xf32>
      %sub3A_1486 = arith.subf %sub3A_1485, %broadcast_in_dim3A_1479 : vector<1x512xf32>
      %mul3A_1487 = arith.mulf %slice3A_832, %sub3A_1486 : vector<1x512xf32>
      %ne3A_1488 = arith.cmpf one, %mul3A_1487, %while3A_1467 : vector<1x512xf32>
      %reduce_or3A_1489 = arith.constant 1.000000e+00 : f32
      %reduce_or3A_1490 = arith.constant 0.000000e+00 : f32
      %reduce_or3A_1491 = vector.broadcast %reduce_or3A_1489 : f32 to vector<1x512xf32>
      %reduce_or3A_1492 = vector.broadcast %reduce_or3A_1490 : f32 to vector<1x512xf32>
      %reduce_or3A_1493 = arith.select %ne3A_1488, %reduce_or3A_1491, %reduce_or3A_1492 : vector<1x512xi1>, vector<1x512xf32>
      %reduce_or3A_1494 = vector.shape_cast %reduce_or3A_1493 : vector<1x512xf32> to vector<1x1x512xf32>
      %reduce_or3A_1495 = arith.constant dense<0xFF800000> : vector<1xf32>
      %reduce_or3A_1496 = vector.multi_reduction <maximumf>, %reduce_or3A_1494, %reduce_or3A_1495 [1, 2] : vector<1x1x512xf32> to vector<1xf32>
      %reduce_or3A_1497 = vector.shape_cast %reduce_or3A_1496 : vector<1xf32> to vector<1x1x1xf32>
      %reduce_or3A_1498 = vector.extract %reduce_or3A_1497[0, 0, 0] : f32 from vector<1x1x1xf32>
      %reduce_or3A_1499 = arith.constant 0.000000e+00 : f32
      %reduce_or3A_1500 = arith.cmpf ogt, %reduce_or3A_1498, %reduce_or3A_1499 : f32
      scf.yield %mul3A_1487, %mul3A_1483, %reduce_or3A_1500 : vector<1x512xf32>, vector<512x1xf32>, i1
    }
    %slice3A_870 = vector.extract_strided_slice %concatenate3A_788 {offsets = [0, 0], sizes = [1, 2560], strides = [1, 1]} : vector<1x5120xf32> to vector<1x2560xf32>
    %gt3A_871 = arith.constant 0.000000e+00 : f32
    %gt3A_872 = vector.broadcast %gt3A_871 : f32 to vector<512x1xf32>
    %gt3A_873 = arith.cmpf ogt, %while3A_869#1, %gt3A_872 : vector<512x1xf32>
    %jit3A_874 = arith.constant 4.000000e+09 : f32
    %broadcast_in_dim3A_875 = vector.broadcast %jit3A_874 : f32 to vector<512x1xf32>
    %select_n3A_876 = arith.select %gt3A_873, %slice3A_789, %broadcast_in_dim3A_875 : vector<512x1xi1>, vector<512x1xf32>
    %jit3A_877 = arith.constant 4.000000e+09 : f32
    %broadcast_in_dim3A_878 = vector.broadcast %jit3A_877 : f32 to vector<512x1xf32>
    %select_n3A_879 = arith.select %gt3A_873, %slice3A_790, %broadcast_in_dim3A_878 : vector<512x1xi1>, vector<512x1xf32>
    %jit3A_880 = arith.constant -4.000000e+09 : f32
    %broadcast_in_dim3A_881 = vector.broadcast %jit3A_880 : f32 to vector<512x1xf32>
    %select_n3A_882 = arith.select %gt3A_873, %slice3A_791, %broadcast_in_dim3A_881 : vector<512x1xi1>, vector<512x1xf32>
    %jit3A_883 = arith.constant -4.000000e+09 : f32
    %broadcast_in_dim3A_884 = vector.broadcast %jit3A_883 : f32 to vector<512x1xf32>
    %select_n3A_885 = arith.select %gt3A_873, %slice3A_792, %broadcast_in_dim3A_884 : vector<512x1xi1>, vector<512x1xf32>
    %jit3A_886 = arith.constant 1.000000e+00 : f32
    %broadcast_in_dim3A_887 = vector.broadcast %jit3A_886 : f32 to vector<512x1xf32>
    %select_n3A_888 = arith.select %gt3A_873, %slice3A_793, %broadcast_in_dim3A_887 : vector<512x1xi1>, vector<512x1xf32>
    %slice3A_889 = vector.extract_strided_slice %sub3A_67 {offsets = [0, 3072], sizes = [1, 2048], strides = [1, 1]} : vector<1x5120xf32> to vector<1x2048xf32>
    %max3A_890 = vector.broadcast %select_n3A_876 : vector<512x1xf32> to vector<512x2048xf32>
    %max3A_891 = vector.broadcast %slice3A_889 : vector<1x2048xf32> to vector<512x2048xf32>
    %max3A_892 = arith.maximumf %max3A_890, %max3A_891 : vector<512x2048xf32>
    %slice3A_893 = vector.extract_strided_slice %sub3A_71 {offsets = [0, 3072], sizes = [1, 2048], strides = [1, 1]} : vector<1x5120xf32> to vector<1x2048xf32>
    %max3A_894 = vector.broadcast %select_n3A_879 : vector<512x1xf32> to vector<512x2048xf32>
    %max3A_895 = vector.broadcast %slice3A_893 : vector<1x2048xf32> to vector<512x2048xf32>
    %max3A_896 = arith.maximumf %max3A_894, %max3A_895 : vector<512x2048xf32>
    %slice3A_897 = vector.extract_strided_slice %add3A_75 {offsets = [0, 3072], sizes = [1, 2048], strides = [1, 1]} : vector<1x5120xf32> to vector<1x2048xf32>
    %min3A_898 = vector.broadcast %select_n3A_882 : vector<512x1xf32> to vector<512x2048xf32>
    %min3A_899 = vector.broadcast %slice3A_897 : vector<1x2048xf32> to vector<512x2048xf32>
    %min3A_900 = arith.minimumf %min3A_898, %min3A_899 : vector<512x2048xf32>
    %slice3A_901 = vector.extract_strided_slice %add3A_79 {offsets = [0, 3072], sizes = [1, 2048], strides = [1, 1]} : vector<1x5120xf32> to vector<1x2048xf32>
    %min3A_902 = vector.broadcast %select_n3A_885 : vector<512x1xf32> to vector<512x2048xf32>
    %min3A_903 = vector.broadcast %slice3A_901 : vector<1x2048xf32> to vector<512x2048xf32>
    %min3A_904 = arith.minimumf %min3A_902, %min3A_903 : vector<512x2048xf32>
    %sub3A_905 = arith.subf %min3A_900, %max3A_892 : vector<512x2048xf32>
    %max3A_906 = arith.constant 0.000000e+00 : f32
    %max3A_907 = vector.broadcast %max3A_906 : f32 to vector<512x2048xf32>
    %max3A_908 = arith.maximumf %sub3A_905, %max3A_907 : vector<512x2048xf32>
    %sub3A_909 = arith.subf %min3A_904, %max3A_896 : vector<512x2048xf32>
    %max3A_910 = arith.constant 0.000000e+00 : f32
    %max3A_911 = vector.broadcast %max3A_910 : f32 to vector<512x2048xf32>
    %max3A_912 = arith.maximumf %sub3A_909, %max3A_911 : vector<512x2048xf32>
    %mul3A_913 = arith.mulf %max3A_908, %max3A_912 : vector<512x2048xf32>
    %slice3A_914 = vector.extract_strided_slice %mul3A_82 {offsets = [0, 3072], sizes = [1, 2048], strides = [1, 1]} : vector<1x5120xf32> to vector<1x2048xf32>
    %add3A_915 = vector.broadcast %select_n3A_888 : vector<512x1xf32> to vector<512x2048xf32>
    %add3A_916 = vector.broadcast %slice3A_914 : vector<1x2048xf32> to vector<512x2048xf32>
    %add3A_917 = arith.addf %add3A_915, %add3A_916 : vector<512x2048xf32>
    %sub3A_918 = arith.subf %add3A_917, %mul3A_913 : vector<512x2048xf32>
    %div3A_919 = arith.divf %mul3A_913, %sub3A_918 : vector<512x2048xf32>
    %reduce_max3A_920 = arith.constant dense<0xFF800000> : vector<2048xf32>
    %reduce_max3A_921 = vector.multi_reduction <maximumf>, %div3A_919, %reduce_max3A_920 [0] : vector<512x2048xf32> to vector<2048xf32>
    %broadcast_in_dim3A_922 = vector.shape_cast %reduce_max3A_921 : vector<2048xf32> to vector<1x2048xf32>
    %gt3A_923 = arith.constant 0.699999988 : f32
    %gt3A_924 = vector.broadcast %gt3A_923 : f32 to vector<1x2048xf32>
    %gt3A_925 = arith.cmpf ogt, %broadcast_in_dim3A_922, %gt3A_924 : vector<1x2048xf32>
    %slice3A_926 = vector.extract_strided_slice %concatenate3A_788 {offsets = [0, 3072], sizes = [1, 2048], strides = [1, 1]} : vector<1x5120xf32> to vector<1x2048xf32>
    %jit3A_927 = arith.constant 0.000000e+00 : f32
    %broadcast_in_dim3A_928 = vector.broadcast %jit3A_927 : f32 to vector<1x2048xf32>
    %select_n3A_929 = arith.select %gt3A_925, %broadcast_in_dim3A_928, %slice3A_926 : vector<1x2048xi1>, vector<1x2048xf32>
    %concatenate3A_930 = tpu.concatenate %slice3A_870, %while3A_869#0, %select_n3A_929 in 1 : vector<1x2560xf32>, vector<1x512xf32>, vector<1x2048xf32> -> vector<1x5120xf32>
    %slice3A_931 = vector.extract_strided_slice %sub3A {offsets = [3072, 0], sizes = [512, 1], strides = [1, 1]} : vector<5120x1xf32> to vector<512x1xf32>
    %slice3A_932 = vector.extract_strided_slice %sub3A_27 {offsets = [3072, 0], sizes = [512, 1], strides = [1, 1]} : vector<5120x1xf32> to vector<512x1xf32>
    %slice3A_933 = vector.extract_strided_slice %add3A_31 {offsets = [3072, 0], sizes = [512, 1], strides = [1, 1]} : vector<5120x1xf32> to vector<512x1xf32>
    %slice3A_934 = vector.extract_strided_slice %add3A_35 {offsets = [3072, 0], sizes = [512, 1], strides = [1, 1]} : vector<5120x1xf32> to vector<512x1xf32>
    %slice3A_935 = vector.extract_strided_slice %mul3A_38 {offsets = [3072, 0], sizes = [512, 1], strides = [1, 1]} : vector<5120x1xf32> to vector<512x1xf32>
    %slice3A_936 = vector.extract_strided_slice %sub3A_67 {offsets = [0, 3072], sizes = [1, 512], strides = [1, 1]} : vector<1x5120xf32> to vector<1x512xf32>
    %max3A_937 = vector.broadcast %slice3A_931 : vector<512x1xf32> to vector<512x512xf32>
    %max3A_938 = vector.broadcast %slice3A_936 : vector<1x512xf32> to vector<512x512xf32>
    %max3A_939 = arith.maximumf %max3A_937, %max3A_938 : vector<512x512xf32>
    %slice3A_940 = vector.extract_strided_slice %sub3A_71 {offsets = [0, 3072], sizes = [1, 512], strides = [1, 1]} : vector<1x5120xf32> to vector<1x512xf32>
    %max3A_941 = vector.broadcast %slice3A_932 : vector<512x1xf32> to vector<512x512xf32>
    %max3A_942 = vector.broadcast %slice3A_940 : vector<1x512xf32> to vector<512x512xf32>
    %max3A_943 = arith.maximumf %max3A_941, %max3A_942 : vector<512x512xf32>
    %slice3A_944 = vector.extract_strided_slice %add3A_75 {offsets = [0, 3072], sizes = [1, 512], strides = [1, 1]} : vector<1x5120xf32> to vector<1x512xf32>
    %min3A_945 = vector.broadcast %slice3A_933 : vector<512x1xf32> to vector<512x512xf32>
    %min3A_946 = vector.broadcast %slice3A_944 : vector<1x512xf32> to vector<512x512xf32>
    %min3A_947 = arith.minimumf %min3A_945, %min3A_946 : vector<512x512xf32>
    %slice3A_948 = vector.extract_strided_slice %add3A_79 {offsets = [0, 3072], sizes = [1, 512], strides = [1, 1]} : vector<1x5120xf32> to vector<1x512xf32>
    %min3A_949 = vector.broadcast %slice3A_934 : vector<512x1xf32> to vector<512x512xf32>
    %min3A_950 = vector.broadcast %slice3A_948 : vector<1x512xf32> to vector<512x512xf32>
    %min3A_951 = arith.minimumf %min3A_949, %min3A_950 : vector<512x512xf32>
    %sub3A_952 = arith.subf %min3A_947, %max3A_939 : vector<512x512xf32>
    %max3A_953 = arith.constant 0.000000e+00 : f32
    %max3A_954 = vector.broadcast %max3A_953 : f32 to vector<512x512xf32>
    %max3A_955 = arith.maximumf %sub3A_952, %max3A_954 : vector<512x512xf32>
    %sub3A_956 = arith.subf %min3A_951, %max3A_943 : vector<512x512xf32>
    %max3A_957 = arith.constant 0.000000e+00 : f32
    %max3A_958 = vector.broadcast %max3A_957 : f32 to vector<512x512xf32>
    %max3A_959 = arith.maximumf %sub3A_956, %max3A_958 : vector<512x512xf32>
    %mul3A_960 = arith.mulf %max3A_955, %max3A_959 : vector<512x512xf32>
    %slice3A_961 = vector.extract_strided_slice %mul3A_82 {offsets = [0, 3072], sizes = [1, 512], strides = [1, 1]} : vector<1x5120xf32> to vector<1x512xf32>
    %add3A_962 = vector.broadcast %slice3A_935 : vector<512x1xf32> to vector<512x512xf32>
    %add3A_963 = vector.broadcast %slice3A_961 : vector<1x512xf32> to vector<512x512xf32>
    %add3A_964 = arith.addf %add3A_962, %add3A_963 : vector<512x512xf32>
    %sub3A_965 = arith.subf %add3A_964, %mul3A_960 : vector<512x512xf32>
    %div3A_966 = arith.divf %mul3A_960, %sub3A_965 : vector<512x512xf32>
    %gt3A_967 = arith.constant 0.699999988 : f32
    %gt3A_968 = vector.broadcast %gt3A_967 : f32 to vector<512x512xf32>
    %gt3A_969 = arith.cmpf ogt, %div3A_966, %gt3A_968 : vector<512x512xf32>
    %convert_element_type3A_970 = arith.extui %gt3A_969 : vector<512x512xi1> to vector<512x512xi32>
    %convert_element_type3A_971 = arith.sitofp %convert_element_type3A_970 : vector<512x512xi32> to vector<512x512xf32>
    %mul3A_972 = arith.mulf %convert_element_type3A_971, %convert_element_type3A_84 : vector<512x512xf32>
    %mul3A_973 = arith.mulf %convert_element_type3A_971, %convert_element_type3A_87 : vector<512x512xf32>
    %slice3A_974 = vector.extract_strided_slice %concatenate3A_930 {offsets = [0, 3072], sizes = [1, 512], strides = [1, 1]} : vector<1x5120xf32> to vector<1x512xf32>
    %mul3A_975 = vector.broadcast %slice3A_974 : vector<1x512xf32> to vector<512x512xf32>
    %mul3A_976 = arith.mulf %convert_element_type3A_89, %mul3A_975 : vector<512x512xf32>
    %reduce_max3A_977 = arith.constant dense<0xFF800000> : vector<512xf32>
    %reduce_max3A_978 = vector.multi_reduction <maximumf>, %mul3A_976, %reduce_max3A_977 [1] : vector<512x512xf32> to vector<512xf32>
    %broadcast_in_dim3A_979 = vector.shape_cast %reduce_max3A_978 : vector<512xf32> to vector<512x1xf32>
    %mul3A_980 = vector.broadcast %slice3A_974 : vector<1x512xf32> to vector<512x512xf32>
    %mul3A_981 = arith.mulf %mul3A_972, %mul3A_980 : vector<512x512xf32>
    %reduce_max3A_982 = arith.constant dense<0xFF800000> : vector<512xf32>
    %reduce_max3A_983 = vector.multi_reduction <maximumf>, %mul3A_981, %reduce_max3A_982 [1] : vector<512x512xf32> to vector<512xf32>
    %broadcast_in_dim3A_984 = vector.shape_cast %reduce_max3A_983 : vector<512xf32> to vector<512x1xf32>
    %mul3A_985 = vector.broadcast %broadcast_in_dim3A_979 : vector<512x1xf32> to vector<512x512xf32>
    %mul3A_986 = arith.mulf %mul3A_973, %mul3A_985 : vector<512x512xf32>
    %reduce_max3A_987 = arith.constant dense<0xFF800000> : vector<512xf32>
    %reduce_max3A_988 = vector.multi_reduction <maximumf>, %mul3A_986, %reduce_max3A_987 [0] : vector<512x512xf32> to vector<512xf32>
    %broadcast_in_dim3A_989 = vector.shape_cast %reduce_max3A_988 : vector<512xf32> to vector<1x512xf32>
    %sub3A_990 = arith.constant 1.000000e+00 : f32
    %sub3A_991 = vector.broadcast %sub3A_990 : f32 to vector<512x1xf32>
    %sub3A_992 = arith.subf %sub3A_991, %broadcast_in_dim3A_984 : vector<512x1xf32>
    %mul3A_993 = arith.mulf %broadcast_in_dim3A_979, %sub3A_992 : vector<512x1xf32>
    %sub3A_994 = arith.constant 1.000000e+00 : f32
    %sub3A_995 = vector.broadcast %sub3A_994 : f32 to vector<1x512xf32>
    %sub3A_996 = arith.subf %sub3A_995, %broadcast_in_dim3A_989 : vector<1x512xf32>
    %mul3A_997 = arith.mulf %slice3A_974, %sub3A_996 : vector<1x512xf32>
    %ne3A_998 = arith.cmpf one, %mul3A_997, %slice3A_974 : vector<1x512xf32>
    %reduce_or3A_999 = arith.constant 1.000000e+00 : f32
    %reduce_or3A_1000 = arith.constant 0.000000e+00 : f32
    %reduce_or3A_1001 = vector.broadcast %reduce_or3A_999 : f32 to vector<1x512xf32>
    %reduce_or3A_1002 = vector.broadcast %reduce_or3A_1000 : f32 to vector<1x512xf32>
    %reduce_or3A_1003 = arith.select %ne3A_998, %reduce_or3A_1001, %reduce_or3A_1002 : vector<1x512xi1>, vector<1x512xf32>
    %reduce_or3A_1004 = vector.shape_cast %reduce_or3A_1003 : vector<1x512xf32> to vector<1x1x512xf32>
    %reduce_or3A_1005 = arith.constant dense<0xFF800000> : vector<1xf32>
    %reduce_or3A_1006 = vector.multi_reduction <maximumf>, %reduce_or3A_1004, %reduce_or3A_1005 [1, 2] : vector<1x1x512xf32> to vector<1xf32>
    %reduce_or3A_1007 = vector.shape_cast %reduce_or3A_1006 : vector<1xf32> to vector<1x1x1xf32>
    %reduce_or3A_1008 = vector.extract %reduce_or3A_1007[0, 0, 0] : f32 from vector<1x1x1xf32>
    %reduce_or3A_1009 = arith.constant 0.000000e+00 : f32
    %reduce_or3A_1010 = arith.cmpf ogt, %reduce_or3A_1008, %reduce_or3A_1009 : f32
    %while3A_1011:3 = scf.while (%while3A_1467 = %mul3A_997, %while3A_1468 = %mul3A_993, %while3A_1469 = %reduce_or3A_1010) : (vector<1x512xf32>, vector<512x1xf32>, i1) -> (vector<1x512xf32>, vector<512x1xf32>, i1) {
      scf.condition(%while3A_1469) %while3A_1467, %while3A_1468, %while3A_1469 : vector<1x512xf32>, vector<512x1xf32>, i1
    } do {
    ^bb0(%while3A_1467: vector<1x512xf32>, %while3A_1468: vector<512x1xf32>, %while3A_1469: i1):
      %mul3A_1470 = vector.broadcast %while3A_1467 : vector<1x512xf32> to vector<512x512xf32>
      %mul3A_1471 = arith.mulf %mul3A_972, %mul3A_1470 : vector<512x512xf32>
      %reduce_max3A_1472 = arith.constant dense<0xFF800000> : vector<512xf32>
      %reduce_max3A_1473 = vector.multi_reduction <maximumf>, %mul3A_1471, %reduce_max3A_1472 [1] : vector<512x512xf32> to vector<512xf32>
      %broadcast_in_dim3A_1474 = vector.shape_cast %reduce_max3A_1473 : vector<512xf32> to vector<512x1xf32>
      %mul3A_1475 = vector.broadcast %while3A_1468 : vector<512x1xf32> to vector<512x512xf32>
      %mul3A_1476 = arith.mulf %mul3A_973, %mul3A_1475 : vector<512x512xf32>
      %reduce_max3A_1477 = arith.constant dense<0xFF800000> : vector<512xf32>
      %reduce_max3A_1478 = vector.multi_reduction <maximumf>, %mul3A_1476, %reduce_max3A_1477 [0] : vector<512x512xf32> to vector<512xf32>
      %broadcast_in_dim3A_1479 = vector.shape_cast %reduce_max3A_1478 : vector<512xf32> to vector<1x512xf32>
      %sub3A_1480 = arith.constant 1.000000e+00 : f32
      %sub3A_1481 = vector.broadcast %sub3A_1480 : f32 to vector<512x1xf32>
      %sub3A_1482 = arith.subf %sub3A_1481, %broadcast_in_dim3A_1474 : vector<512x1xf32>
      %mul3A_1483 = arith.mulf %broadcast_in_dim3A_979, %sub3A_1482 : vector<512x1xf32>
      %sub3A_1484 = arith.constant 1.000000e+00 : f32
      %sub3A_1485 = vector.broadcast %sub3A_1484 : f32 to vector<1x512xf32>
      %sub3A_1486 = arith.subf %sub3A_1485, %broadcast_in_dim3A_1479 : vector<1x512xf32>
      %mul3A_1487 = arith.mulf %slice3A_974, %sub3A_1486 : vector<1x512xf32>
      %ne3A_1488 = arith.cmpf one, %mul3A_1487, %while3A_1467 : vector<1x512xf32>
      %reduce_or3A_1489 = arith.constant 1.000000e+00 : f32
      %reduce_or3A_1490 = arith.constant 0.000000e+00 : f32
      %reduce_or3A_1491 = vector.broadcast %reduce_or3A_1489 : f32 to vector<1x512xf32>
      %reduce_or3A_1492 = vector.broadcast %reduce_or3A_1490 : f32 to vector<1x512xf32>
      %reduce_or3A_1493 = arith.select %ne3A_1488, %reduce_or3A_1491, %reduce_or3A_1492 : vector<1x512xi1>, vector<1x512xf32>
      %reduce_or3A_1494 = vector.shape_cast %reduce_or3A_1493 : vector<1x512xf32> to vector<1x1x512xf32>
      %reduce_or3A_1495 = arith.constant dense<0xFF800000> : vector<1xf32>
      %reduce_or3A_1496 = vector.multi_reduction <maximumf>, %reduce_or3A_1494, %reduce_or3A_1495 [1, 2] : vector<1x1x512xf32> to vector<1xf32>
      %reduce_or3A_1497 = vector.shape_cast %reduce_or3A_1496 : vector<1xf32> to vector<1x1x1xf32>
      %reduce_or3A_1498 = vector.extract %reduce_or3A_1497[0, 0, 0] : f32 from vector<1x1x1xf32>
      %reduce_or3A_1499 = arith.constant 0.000000e+00 : f32
      %reduce_or3A_1500 = arith.cmpf ogt, %reduce_or3A_1498, %reduce_or3A_1499 : f32
      scf.yield %mul3A_1487, %mul3A_1483, %reduce_or3A_1500 : vector<1x512xf32>, vector<512x1xf32>, i1
    }
    %slice3A_1012 = vector.extract_strided_slice %concatenate3A_930 {offsets = [0, 0], sizes = [1, 3072], strides = [1, 1]} : vector<1x5120xf32> to vector<1x3072xf32>
    %gt3A_1013 = arith.constant 0.000000e+00 : f32
    %gt3A_1014 = vector.broadcast %gt3A_1013 : f32 to vector<512x1xf32>
    %gt3A_1015 = arith.cmpf ogt, %while3A_1011#1, %gt3A_1014 : vector<512x1xf32>
    %jit3A_1016 = arith.constant 4.000000e+09 : f32
    %broadcast_in_dim3A_1017 = vector.broadcast %jit3A_1016 : f32 to vector<512x1xf32>
    %select_n3A_1018 = arith.select %gt3A_1015, %slice3A_931, %broadcast_in_dim3A_1017 : vector<512x1xi1>, vector<512x1xf32>
    %jit3A_1019 = arith.constant 4.000000e+09 : f32
    %broadcast_in_dim3A_1020 = vector.broadcast %jit3A_1019 : f32 to vector<512x1xf32>
    %select_n3A_1021 = arith.select %gt3A_1015, %slice3A_932, %broadcast_in_dim3A_1020 : vector<512x1xi1>, vector<512x1xf32>
    %jit3A_1022 = arith.constant -4.000000e+09 : f32
    %broadcast_in_dim3A_1023 = vector.broadcast %jit3A_1022 : f32 to vector<512x1xf32>
    %select_n3A_1024 = arith.select %gt3A_1015, %slice3A_933, %broadcast_in_dim3A_1023 : vector<512x1xi1>, vector<512x1xf32>
    %jit3A_1025 = arith.constant -4.000000e+09 : f32
    %broadcast_in_dim3A_1026 = vector.broadcast %jit3A_1025 : f32 to vector<512x1xf32>
    %select_n3A_1027 = arith.select %gt3A_1015, %slice3A_934, %broadcast_in_dim3A_1026 : vector<512x1xi1>, vector<512x1xf32>
    %jit3A_1028 = arith.constant 1.000000e+00 : f32
    %broadcast_in_dim3A_1029 = vector.broadcast %jit3A_1028 : f32 to vector<512x1xf32>
    %select_n3A_1030 = arith.select %gt3A_1015, %slice3A_935, %broadcast_in_dim3A_1029 : vector<512x1xi1>, vector<512x1xf32>
    %slice3A_1031 = vector.extract_strided_slice %sub3A_67 {offsets = [0, 3584], sizes = [1, 1536], strides = [1, 1]} : vector<1x5120xf32> to vector<1x1536xf32>
    %max3A_1032 = vector.broadcast %select_n3A_1018 : vector<512x1xf32> to vector<512x1536xf32>
    %max3A_1033 = vector.broadcast %slice3A_1031 : vector<1x1536xf32> to vector<512x1536xf32>
    %max3A_1034 = arith.maximumf %max3A_1032, %max3A_1033 : vector<512x1536xf32>
    %slice3A_1035 = vector.extract_strided_slice %sub3A_71 {offsets = [0, 3584], sizes = [1, 1536], strides = [1, 1]} : vector<1x5120xf32> to vector<1x1536xf32>
    %max3A_1036 = vector.broadcast %select_n3A_1021 : vector<512x1xf32> to vector<512x1536xf32>
    %max3A_1037 = vector.broadcast %slice3A_1035 : vector<1x1536xf32> to vector<512x1536xf32>
    %max3A_1038 = arith.maximumf %max3A_1036, %max3A_1037 : vector<512x1536xf32>
    %slice3A_1039 = vector.extract_strided_slice %add3A_75 {offsets = [0, 3584], sizes = [1, 1536], strides = [1, 1]} : vector<1x5120xf32> to vector<1x1536xf32>
    %min3A_1040 = vector.broadcast %select_n3A_1024 : vector<512x1xf32> to vector<512x1536xf32>
    %min3A_1041 = vector.broadcast %slice3A_1039 : vector<1x1536xf32> to vector<512x1536xf32>
    %min3A_1042 = arith.minimumf %min3A_1040, %min3A_1041 : vector<512x1536xf32>
    %slice3A_1043 = vector.extract_strided_slice %add3A_79 {offsets = [0, 3584], sizes = [1, 1536], strides = [1, 1]} : vector<1x5120xf32> to vector<1x1536xf32>
    %min3A_1044 = vector.broadcast %select_n3A_1027 : vector<512x1xf32> to vector<512x1536xf32>
    %min3A_1045 = vector.broadcast %slice3A_1043 : vector<1x1536xf32> to vector<512x1536xf32>
    %min3A_1046 = arith.minimumf %min3A_1044, %min3A_1045 : vector<512x1536xf32>
    %sub3A_1047 = arith.subf %min3A_1042, %max3A_1034 : vector<512x1536xf32>
    %max3A_1048 = arith.constant 0.000000e+00 : f32
    %max3A_1049 = vector.broadcast %max3A_1048 : f32 to vector<512x1536xf32>
    %max3A_1050 = arith.maximumf %sub3A_1047, %max3A_1049 : vector<512x1536xf32>
    %sub3A_1051 = arith.subf %min3A_1046, %max3A_1038 : vector<512x1536xf32>
    %max3A_1052 = arith.constant 0.000000e+00 : f32
    %max3A_1053 = vector.broadcast %max3A_1052 : f32 to vector<512x1536xf32>
    %max3A_1054 = arith.maximumf %sub3A_1051, %max3A_1053 : vector<512x1536xf32>
    %mul3A_1055 = arith.mulf %max3A_1050, %max3A_1054 : vector<512x1536xf32>
    %slice3A_1056 = vector.extract_strided_slice %mul3A_82 {offsets = [0, 3584], sizes = [1, 1536], strides = [1, 1]} : vector<1x5120xf32> to vector<1x1536xf32>
    %add3A_1057 = vector.broadcast %select_n3A_1030 : vector<512x1xf32> to vector<512x1536xf32>
    %add3A_1058 = vector.broadcast %slice3A_1056 : vector<1x1536xf32> to vector<512x1536xf32>
    %add3A_1059 = arith.addf %add3A_1057, %add3A_1058 : vector<512x1536xf32>
    %sub3A_1060 = arith.subf %add3A_1059, %mul3A_1055 : vector<512x1536xf32>
    %div3A_1061 = arith.divf %mul3A_1055, %sub3A_1060 : vector<512x1536xf32>
    %reduce_max3A_1062 = arith.constant dense<0xFF800000> : vector<1536xf32>
    %reduce_max3A_1063 = vector.multi_reduction <maximumf>, %div3A_1061, %reduce_max3A_1062 [0] : vector<512x1536xf32> to vector<1536xf32>
    %broadcast_in_dim3A_1064 = vector.shape_cast %reduce_max3A_1063 : vector<1536xf32> to vector<1x1536xf32>
    %gt3A_1065 = arith.constant 0.699999988 : f32
    %gt3A_1066 = vector.broadcast %gt3A_1065 : f32 to vector<1x1536xf32>
    %gt3A_1067 = arith.cmpf ogt, %broadcast_in_dim3A_1064, %gt3A_1066 : vector<1x1536xf32>
    %slice3A_1068 = vector.extract_strided_slice %concatenate3A_930 {offsets = [0, 3584], sizes = [1, 1536], strides = [1, 1]} : vector<1x5120xf32> to vector<1x1536xf32>
    %jit3A_1069 = arith.constant 0.000000e+00 : f32
    %broadcast_in_dim3A_1070 = vector.broadcast %jit3A_1069 : f32 to vector<1x1536xf32>
    %select_n3A_1071 = arith.select %gt3A_1067, %broadcast_in_dim3A_1070, %slice3A_1068 : vector<1x1536xi1>, vector<1x1536xf32>
    %concatenate3A_1072 = tpu.concatenate %slice3A_1012, %while3A_1011#0, %select_n3A_1071 in 1 : vector<1x3072xf32>, vector<1x512xf32>, vector<1x1536xf32> -> vector<1x5120xf32>
    %slice3A_1073 = vector.extract_strided_slice %sub3A {offsets = [3584, 0], sizes = [512, 1], strides = [1, 1]} : vector<5120x1xf32> to vector<512x1xf32>
    %slice3A_1074 = vector.extract_strided_slice %sub3A_27 {offsets = [3584, 0], sizes = [512, 1], strides = [1, 1]} : vector<5120x1xf32> to vector<512x1xf32>
    %slice3A_1075 = vector.extract_strided_slice %add3A_31 {offsets = [3584, 0], sizes = [512, 1], strides = [1, 1]} : vector<5120x1xf32> to vector<512x1xf32>
    %slice3A_1076 = vector.extract_strided_slice %add3A_35 {offsets = [3584, 0], sizes = [512, 1], strides = [1, 1]} : vector<5120x1xf32> to vector<512x1xf32>
    %slice3A_1077 = vector.extract_strided_slice %mul3A_38 {offsets = [3584, 0], sizes = [512, 1], strides = [1, 1]} : vector<5120x1xf32> to vector<512x1xf32>
    %slice3A_1078 = vector.extract_strided_slice %sub3A_67 {offsets = [0, 3584], sizes = [1, 512], strides = [1, 1]} : vector<1x5120xf32> to vector<1x512xf32>
    %max3A_1079 = vector.broadcast %slice3A_1073 : vector<512x1xf32> to vector<512x512xf32>
    %max3A_1080 = vector.broadcast %slice3A_1078 : vector<1x512xf32> to vector<512x512xf32>
    %max3A_1081 = arith.maximumf %max3A_1079, %max3A_1080 : vector<512x512xf32>
    %slice3A_1082 = vector.extract_strided_slice %sub3A_71 {offsets = [0, 3584], sizes = [1, 512], strides = [1, 1]} : vector<1x5120xf32> to vector<1x512xf32>
    %max3A_1083 = vector.broadcast %slice3A_1074 : vector<512x1xf32> to vector<512x512xf32>
    %max3A_1084 = vector.broadcast %slice3A_1082 : vector<1x512xf32> to vector<512x512xf32>
    %max3A_1085 = arith.maximumf %max3A_1083, %max3A_1084 : vector<512x512xf32>
    %slice3A_1086 = vector.extract_strided_slice %add3A_75 {offsets = [0, 3584], sizes = [1, 512], strides = [1, 1]} : vector<1x5120xf32> to vector<1x512xf32>
    %min3A_1087 = vector.broadcast %slice3A_1075 : vector<512x1xf32> to vector<512x512xf32>
    %min3A_1088 = vector.broadcast %slice3A_1086 : vector<1x512xf32> to vector<512x512xf32>
    %min3A_1089 = arith.minimumf %min3A_1087, %min3A_1088 : vector<512x512xf32>
    %slice3A_1090 = vector.extract_strided_slice %add3A_79 {offsets = [0, 3584], sizes = [1, 512], strides = [1, 1]} : vector<1x5120xf32> to vector<1x512xf32>
    %min3A_1091 = vector.broadcast %slice3A_1076 : vector<512x1xf32> to vector<512x512xf32>
    %min3A_1092 = vector.broadcast %slice3A_1090 : vector<1x512xf32> to vector<512x512xf32>
    %min3A_1093 = arith.minimumf %min3A_1091, %min3A_1092 : vector<512x512xf32>
    %sub3A_1094 = arith.subf %min3A_1089, %max3A_1081 : vector<512x512xf32>
    %max3A_1095 = arith.constant 0.000000e+00 : f32
    %max3A_1096 = vector.broadcast %max3A_1095 : f32 to vector<512x512xf32>
    %max3A_1097 = arith.maximumf %sub3A_1094, %max3A_1096 : vector<512x512xf32>
    %sub3A_1098 = arith.subf %min3A_1093, %max3A_1085 : vector<512x512xf32>
    %max3A_1099 = arith.constant 0.000000e+00 : f32
    %max3A_1100 = vector.broadcast %max3A_1099 : f32 to vector<512x512xf32>
    %max3A_1101 = arith.maximumf %sub3A_1098, %max3A_1100 : vector<512x512xf32>
    %mul3A_1102 = arith.mulf %max3A_1097, %max3A_1101 : vector<512x512xf32>
    %slice3A_1103 = vector.extract_strided_slice %mul3A_82 {offsets = [0, 3584], sizes = [1, 512], strides = [1, 1]} : vector<1x5120xf32> to vector<1x512xf32>
    %add3A_1104 = vector.broadcast %slice3A_1077 : vector<512x1xf32> to vector<512x512xf32>
    %add3A_1105 = vector.broadcast %slice3A_1103 : vector<1x512xf32> to vector<512x512xf32>
    %add3A_1106 = arith.addf %add3A_1104, %add3A_1105 : vector<512x512xf32>
    %sub3A_1107 = arith.subf %add3A_1106, %mul3A_1102 : vector<512x512xf32>
    %div3A_1108 = arith.divf %mul3A_1102, %sub3A_1107 : vector<512x512xf32>
    %gt3A_1109 = arith.constant 0.699999988 : f32
    %gt3A_1110 = vector.broadcast %gt3A_1109 : f32 to vector<512x512xf32>
    %gt3A_1111 = arith.cmpf ogt, %div3A_1108, %gt3A_1110 : vector<512x512xf32>
    %convert_element_type3A_1112 = arith.extui %gt3A_1111 : vector<512x512xi1> to vector<512x512xi32>
    %convert_element_type3A_1113 = arith.sitofp %convert_element_type3A_1112 : vector<512x512xi32> to vector<512x512xf32>
    %mul3A_1114 = arith.mulf %convert_element_type3A_1113, %convert_element_type3A_84 : vector<512x512xf32>
    %mul3A_1115 = arith.mulf %convert_element_type3A_1113, %convert_element_type3A_87 : vector<512x512xf32>
    %slice3A_1116 = vector.extract_strided_slice %concatenate3A_1072 {offsets = [0, 3584], sizes = [1, 512], strides = [1, 1]} : vector<1x5120xf32> to vector<1x512xf32>
    %mul3A_1117 = vector.broadcast %slice3A_1116 : vector<1x512xf32> to vector<512x512xf32>
    %mul3A_1118 = arith.mulf %convert_element_type3A_89, %mul3A_1117 : vector<512x512xf32>
    %reduce_max3A_1119 = arith.constant dense<0xFF800000> : vector<512xf32>
    %reduce_max3A_1120 = vector.multi_reduction <maximumf>, %mul3A_1118, %reduce_max3A_1119 [1] : vector<512x512xf32> to vector<512xf32>
    %broadcast_in_dim3A_1121 = vector.shape_cast %reduce_max3A_1120 : vector<512xf32> to vector<512x1xf32>
    %mul3A_1122 = vector.broadcast %slice3A_1116 : vector<1x512xf32> to vector<512x512xf32>
    %mul3A_1123 = arith.mulf %mul3A_1114, %mul3A_1122 : vector<512x512xf32>
    %reduce_max3A_1124 = arith.constant dense<0xFF800000> : vector<512xf32>
    %reduce_max3A_1125 = vector.multi_reduction <maximumf>, %mul3A_1123, %reduce_max3A_1124 [1] : vector<512x512xf32> to vector<512xf32>
    %broadcast_in_dim3A_1126 = vector.shape_cast %reduce_max3A_1125 : vector<512xf32> to vector<512x1xf32>
    %mul3A_1127 = vector.broadcast %broadcast_in_dim3A_1121 : vector<512x1xf32> to vector<512x512xf32>
    %mul3A_1128 = arith.mulf %mul3A_1115, %mul3A_1127 : vector<512x512xf32>
    %reduce_max3A_1129 = arith.constant dense<0xFF800000> : vector<512xf32>
    %reduce_max3A_1130 = vector.multi_reduction <maximumf>, %mul3A_1128, %reduce_max3A_1129 [0] : vector<512x512xf32> to vector<512xf32>
    %broadcast_in_dim3A_1131 = vector.shape_cast %reduce_max3A_1130 : vector<512xf32> to vector<1x512xf32>
    %sub3A_1132 = arith.constant 1.000000e+00 : f32
    %sub3A_1133 = vector.broadcast %sub3A_1132 : f32 to vector<512x1xf32>
    %sub3A_1134 = arith.subf %sub3A_1133, %broadcast_in_dim3A_1126 : vector<512x1xf32>
    %mul3A_1135 = arith.mulf %broadcast_in_dim3A_1121, %sub3A_1134 : vector<512x1xf32>
    %sub3A_1136 = arith.constant 1.000000e+00 : f32
    %sub3A_1137 = vector.broadcast %sub3A_1136 : f32 to vector<1x512xf32>
    %sub3A_1138 = arith.subf %sub3A_1137, %broadcast_in_dim3A_1131 : vector<1x512xf32>
    %mul3A_1139 = arith.mulf %slice3A_1116, %sub3A_1138 : vector<1x512xf32>
    %ne3A_1140 = arith.cmpf one, %mul3A_1139, %slice3A_1116 : vector<1x512xf32>
    %reduce_or3A_1141 = arith.constant 1.000000e+00 : f32
    %reduce_or3A_1142 = arith.constant 0.000000e+00 : f32
    %reduce_or3A_1143 = vector.broadcast %reduce_or3A_1141 : f32 to vector<1x512xf32>
    %reduce_or3A_1144 = vector.broadcast %reduce_or3A_1142 : f32 to vector<1x512xf32>
    %reduce_or3A_1145 = arith.select %ne3A_1140, %reduce_or3A_1143, %reduce_or3A_1144 : vector<1x512xi1>, vector<1x512xf32>
    %reduce_or3A_1146 = vector.shape_cast %reduce_or3A_1145 : vector<1x512xf32> to vector<1x1x512xf32>
    %reduce_or3A_1147 = arith.constant dense<0xFF800000> : vector<1xf32>
    %reduce_or3A_1148 = vector.multi_reduction <maximumf>, %reduce_or3A_1146, %reduce_or3A_1147 [1, 2] : vector<1x1x512xf32> to vector<1xf32>
    %reduce_or3A_1149 = vector.shape_cast %reduce_or3A_1148 : vector<1xf32> to vector<1x1x1xf32>
    %reduce_or3A_1150 = vector.extract %reduce_or3A_1149[0, 0, 0] : f32 from vector<1x1x1xf32>
    %reduce_or3A_1151 = arith.constant 0.000000e+00 : f32
    %reduce_or3A_1152 = arith.cmpf ogt, %reduce_or3A_1150, %reduce_or3A_1151 : f32
    %while3A_1153:3 = scf.while (%while3A_1467 = %mul3A_1139, %while3A_1468 = %mul3A_1135, %while3A_1469 = %reduce_or3A_1152) : (vector<1x512xf32>, vector<512x1xf32>, i1) -> (vector<1x512xf32>, vector<512x1xf32>, i1) {
      scf.condition(%while3A_1469) %while3A_1467, %while3A_1468, %while3A_1469 : vector<1x512xf32>, vector<512x1xf32>, i1
    } do {
    ^bb0(%while3A_1467: vector<1x512xf32>, %while3A_1468: vector<512x1xf32>, %while3A_1469: i1):
      %mul3A_1470 = vector.broadcast %while3A_1467 : vector<1x512xf32> to vector<512x512xf32>
      %mul3A_1471 = arith.mulf %mul3A_1114, %mul3A_1470 : vector<512x512xf32>
      %reduce_max3A_1472 = arith.constant dense<0xFF800000> : vector<512xf32>
      %reduce_max3A_1473 = vector.multi_reduction <maximumf>, %mul3A_1471, %reduce_max3A_1472 [1] : vector<512x512xf32> to vector<512xf32>
      %broadcast_in_dim3A_1474 = vector.shape_cast %reduce_max3A_1473 : vector<512xf32> to vector<512x1xf32>
      %mul3A_1475 = vector.broadcast %while3A_1468 : vector<512x1xf32> to vector<512x512xf32>
      %mul3A_1476 = arith.mulf %mul3A_1115, %mul3A_1475 : vector<512x512xf32>
      %reduce_max3A_1477 = arith.constant dense<0xFF800000> : vector<512xf32>
      %reduce_max3A_1478 = vector.multi_reduction <maximumf>, %mul3A_1476, %reduce_max3A_1477 [0] : vector<512x512xf32> to vector<512xf32>
      %broadcast_in_dim3A_1479 = vector.shape_cast %reduce_max3A_1478 : vector<512xf32> to vector<1x512xf32>
      %sub3A_1480 = arith.constant 1.000000e+00 : f32
      %sub3A_1481 = vector.broadcast %sub3A_1480 : f32 to vector<512x1xf32>
      %sub3A_1482 = arith.subf %sub3A_1481, %broadcast_in_dim3A_1474 : vector<512x1xf32>
      %mul3A_1483 = arith.mulf %broadcast_in_dim3A_1121, %sub3A_1482 : vector<512x1xf32>
      %sub3A_1484 = arith.constant 1.000000e+00 : f32
      %sub3A_1485 = vector.broadcast %sub3A_1484 : f32 to vector<1x512xf32>
      %sub3A_1486 = arith.subf %sub3A_1485, %broadcast_in_dim3A_1479 : vector<1x512xf32>
      %mul3A_1487 = arith.mulf %slice3A_1116, %sub3A_1486 : vector<1x512xf32>
      %ne3A_1488 = arith.cmpf one, %mul3A_1487, %while3A_1467 : vector<1x512xf32>
      %reduce_or3A_1489 = arith.constant 1.000000e+00 : f32
      %reduce_or3A_1490 = arith.constant 0.000000e+00 : f32
      %reduce_or3A_1491 = vector.broadcast %reduce_or3A_1489 : f32 to vector<1x512xf32>
      %reduce_or3A_1492 = vector.broadcast %reduce_or3A_1490 : f32 to vector<1x512xf32>
      %reduce_or3A_1493 = arith.select %ne3A_1488, %reduce_or3A_1491, %reduce_or3A_1492 : vector<1x512xi1>, vector<1x512xf32>
      %reduce_or3A_1494 = vector.shape_cast %reduce_or3A_1493 : vector<1x512xf32> to vector<1x1x512xf32>
      %reduce_or3A_1495 = arith.constant dense<0xFF800000> : vector<1xf32>
      %reduce_or3A_1496 = vector.multi_reduction <maximumf>, %reduce_or3A_1494, %reduce_or3A_1495 [1, 2] : vector<1x1x512xf32> to vector<1xf32>
      %reduce_or3A_1497 = vector.shape_cast %reduce_or3A_1496 : vector<1xf32> to vector<1x1x1xf32>
      %reduce_or3A_1498 = vector.extract %reduce_or3A_1497[0, 0, 0] : f32 from vector<1x1x1xf32>
      %reduce_or3A_1499 = arith.constant 0.000000e+00 : f32
      %reduce_or3A_1500 = arith.cmpf ogt, %reduce_or3A_1498, %reduce_or3A_1499 : f32
      scf.yield %mul3A_1487, %mul3A_1483, %reduce_or3A_1500 : vector<1x512xf32>, vector<512x1xf32>, i1
    }
    %slice3A_1154 = vector.extract_strided_slice %concatenate3A_1072 {offsets = [0, 0], sizes = [1, 3584], strides = [1, 1]} : vector<1x5120xf32> to vector<1x3584xf32>
    %gt3A_1155 = arith.constant 0.000000e+00 : f32
    %gt3A_1156 = vector.broadcast %gt3A_1155 : f32 to vector<512x1xf32>
    %gt3A_1157 = arith.cmpf ogt, %while3A_1153#1, %gt3A_1156 : vector<512x1xf32>
    %jit3A_1158 = arith.constant 4.000000e+09 : f32
    %broadcast_in_dim3A_1159 = vector.broadcast %jit3A_1158 : f32 to vector<512x1xf32>
    %select_n3A_1160 = arith.select %gt3A_1157, %slice3A_1073, %broadcast_in_dim3A_1159 : vector<512x1xi1>, vector<512x1xf32>
    %jit3A_1161 = arith.constant 4.000000e+09 : f32
    %broadcast_in_dim3A_1162 = vector.broadcast %jit3A_1161 : f32 to vector<512x1xf32>
    %select_n3A_1163 = arith.select %gt3A_1157, %slice3A_1074, %broadcast_in_dim3A_1162 : vector<512x1xi1>, vector<512x1xf32>
    %jit3A_1164 = arith.constant -4.000000e+09 : f32
    %broadcast_in_dim3A_1165 = vector.broadcast %jit3A_1164 : f32 to vector<512x1xf32>
    %select_n3A_1166 = arith.select %gt3A_1157, %slice3A_1075, %broadcast_in_dim3A_1165 : vector<512x1xi1>, vector<512x1xf32>
    %jit3A_1167 = arith.constant -4.000000e+09 : f32
    %broadcast_in_dim3A_1168 = vector.broadcast %jit3A_1167 : f32 to vector<512x1xf32>
    %select_n3A_1169 = arith.select %gt3A_1157, %slice3A_1076, %broadcast_in_dim3A_1168 : vector<512x1xi1>, vector<512x1xf32>
    %jit3A_1170 = arith.constant 1.000000e+00 : f32
    %broadcast_in_dim3A_1171 = vector.broadcast %jit3A_1170 : f32 to vector<512x1xf32>
    %select_n3A_1172 = arith.select %gt3A_1157, %slice3A_1077, %broadcast_in_dim3A_1171 : vector<512x1xi1>, vector<512x1xf32>
    %slice3A_1173 = vector.extract_strided_slice %sub3A_67 {offsets = [0, 4096], sizes = [1, 1024], strides = [1, 1]} : vector<1x5120xf32> to vector<1x1024xf32>
    %max3A_1174 = vector.broadcast %select_n3A_1160 : vector<512x1xf32> to vector<512x1024xf32>
    %max3A_1175 = vector.broadcast %slice3A_1173 : vector<1x1024xf32> to vector<512x1024xf32>
    %max3A_1176 = arith.maximumf %max3A_1174, %max3A_1175 : vector<512x1024xf32>
    %slice3A_1177 = vector.extract_strided_slice %sub3A_71 {offsets = [0, 4096], sizes = [1, 1024], strides = [1, 1]} : vector<1x5120xf32> to vector<1x1024xf32>
    %max3A_1178 = vector.broadcast %select_n3A_1163 : vector<512x1xf32> to vector<512x1024xf32>
    %max3A_1179 = vector.broadcast %slice3A_1177 : vector<1x1024xf32> to vector<512x1024xf32>
    %max3A_1180 = arith.maximumf %max3A_1178, %max3A_1179 : vector<512x1024xf32>
    %slice3A_1181 = vector.extract_strided_slice %add3A_75 {offsets = [0, 4096], sizes = [1, 1024], strides = [1, 1]} : vector<1x5120xf32> to vector<1x1024xf32>
    %min3A_1182 = vector.broadcast %select_n3A_1166 : vector<512x1xf32> to vector<512x1024xf32>
    %min3A_1183 = vector.broadcast %slice3A_1181 : vector<1x1024xf32> to vector<512x1024xf32>
    %min3A_1184 = arith.minimumf %min3A_1182, %min3A_1183 : vector<512x1024xf32>
    %slice3A_1185 = vector.extract_strided_slice %add3A_79 {offsets = [0, 4096], sizes = [1, 1024], strides = [1, 1]} : vector<1x5120xf32> to vector<1x1024xf32>
    %min3A_1186 = vector.broadcast %select_n3A_1169 : vector<512x1xf32> to vector<512x1024xf32>
    %min3A_1187 = vector.broadcast %slice3A_1185 : vector<1x1024xf32> to vector<512x1024xf32>
    %min3A_1188 = arith.minimumf %min3A_1186, %min3A_1187 : vector<512x1024xf32>
    %sub3A_1189 = arith.subf %min3A_1184, %max3A_1176 : vector<512x1024xf32>
    %max3A_1190 = arith.constant 0.000000e+00 : f32
    %max3A_1191 = vector.broadcast %max3A_1190 : f32 to vector<512x1024xf32>
    %max3A_1192 = arith.maximumf %sub3A_1189, %max3A_1191 : vector<512x1024xf32>
    %sub3A_1193 = arith.subf %min3A_1188, %max3A_1180 : vector<512x1024xf32>
    %max3A_1194 = arith.constant 0.000000e+00 : f32
    %max3A_1195 = vector.broadcast %max3A_1194 : f32 to vector<512x1024xf32>
    %max3A_1196 = arith.maximumf %sub3A_1193, %max3A_1195 : vector<512x1024xf32>
    %mul3A_1197 = arith.mulf %max3A_1192, %max3A_1196 : vector<512x1024xf32>
    %slice3A_1198 = vector.extract_strided_slice %mul3A_82 {offsets = [0, 4096], sizes = [1, 1024], strides = [1, 1]} : vector<1x5120xf32> to vector<1x1024xf32>
    %add3A_1199 = vector.broadcast %select_n3A_1172 : vector<512x1xf32> to vector<512x1024xf32>
    %add3A_1200 = vector.broadcast %slice3A_1198 : vector<1x1024xf32> to vector<512x1024xf32>
    %add3A_1201 = arith.addf %add3A_1199, %add3A_1200 : vector<512x1024xf32>
    %sub3A_1202 = arith.subf %add3A_1201, %mul3A_1197 : vector<512x1024xf32>
    %div3A_1203 = arith.divf %mul3A_1197, %sub3A_1202 : vector<512x1024xf32>
    %reduce_max3A_1204 = arith.constant dense<0xFF800000> : vector<1024xf32>
    %reduce_max3A_1205 = vector.multi_reduction <maximumf>, %div3A_1203, %reduce_max3A_1204 [0] : vector<512x1024xf32> to vector<1024xf32>
    %broadcast_in_dim3A_1206 = vector.shape_cast %reduce_max3A_1205 : vector<1024xf32> to vector<1x1024xf32>
    %gt3A_1207 = arith.constant 0.699999988 : f32
    %gt3A_1208 = vector.broadcast %gt3A_1207 : f32 to vector<1x1024xf32>
    %gt3A_1209 = arith.cmpf ogt, %broadcast_in_dim3A_1206, %gt3A_1208 : vector<1x1024xf32>
    %slice3A_1210 = vector.extract_strided_slice %concatenate3A_1072 {offsets = [0, 4096], sizes = [1, 1024], strides = [1, 1]} : vector<1x5120xf32> to vector<1x1024xf32>
    %jit3A_1211 = arith.constant 0.000000e+00 : f32
    %broadcast_in_dim3A_1212 = vector.broadcast %jit3A_1211 : f32 to vector<1x1024xf32>
    %select_n3A_1213 = arith.select %gt3A_1209, %broadcast_in_dim3A_1212, %slice3A_1210 : vector<1x1024xi1>, vector<1x1024xf32>
    %concatenate3A_1214 = tpu.concatenate %slice3A_1154, %while3A_1153#0, %select_n3A_1213 in 1 : vector<1x3584xf32>, vector<1x512xf32>, vector<1x1024xf32> -> vector<1x5120xf32>
    %slice3A_1215 = vector.extract_strided_slice %sub3A {offsets = [4096, 0], sizes = [512, 1], strides = [1, 1]} : vector<5120x1xf32> to vector<512x1xf32>
    %slice3A_1216 = vector.extract_strided_slice %sub3A_27 {offsets = [4096, 0], sizes = [512, 1], strides = [1, 1]} : vector<5120x1xf32> to vector<512x1xf32>
    %slice3A_1217 = vector.extract_strided_slice %add3A_31 {offsets = [4096, 0], sizes = [512, 1], strides = [1, 1]} : vector<5120x1xf32> to vector<512x1xf32>
    %slice3A_1218 = vector.extract_strided_slice %add3A_35 {offsets = [4096, 0], sizes = [512, 1], strides = [1, 1]} : vector<5120x1xf32> to vector<512x1xf32>
    %slice3A_1219 = vector.extract_strided_slice %mul3A_38 {offsets = [4096, 0], sizes = [512, 1], strides = [1, 1]} : vector<5120x1xf32> to vector<512x1xf32>
    %slice3A_1220 = vector.extract_strided_slice %sub3A_67 {offsets = [0, 4096], sizes = [1, 512], strides = [1, 1]} : vector<1x5120xf32> to vector<1x512xf32>
    %max3A_1221 = vector.broadcast %slice3A_1215 : vector<512x1xf32> to vector<512x512xf32>
    %max3A_1222 = vector.broadcast %slice3A_1220 : vector<1x512xf32> to vector<512x512xf32>
    %max3A_1223 = arith.maximumf %max3A_1221, %max3A_1222 : vector<512x512xf32>
    %slice3A_1224 = vector.extract_strided_slice %sub3A_71 {offsets = [0, 4096], sizes = [1, 512], strides = [1, 1]} : vector<1x5120xf32> to vector<1x512xf32>
    %max3A_1225 = vector.broadcast %slice3A_1216 : vector<512x1xf32> to vector<512x512xf32>
    %max3A_1226 = vector.broadcast %slice3A_1224 : vector<1x512xf32> to vector<512x512xf32>
    %max3A_1227 = arith.maximumf %max3A_1225, %max3A_1226 : vector<512x512xf32>
    %slice3A_1228 = vector.extract_strided_slice %add3A_75 {offsets = [0, 4096], sizes = [1, 512], strides = [1, 1]} : vector<1x5120xf32> to vector<1x512xf32>
    %min3A_1229 = vector.broadcast %slice3A_1217 : vector<512x1xf32> to vector<512x512xf32>
    %min3A_1230 = vector.broadcast %slice3A_1228 : vector<1x512xf32> to vector<512x512xf32>
    %min3A_1231 = arith.minimumf %min3A_1229, %min3A_1230 : vector<512x512xf32>
    %slice3A_1232 = vector.extract_strided_slice %add3A_79 {offsets = [0, 4096], sizes = [1, 512], strides = [1, 1]} : vector<1x5120xf32> to vector<1x512xf32>
    %min3A_1233 = vector.broadcast %slice3A_1218 : vector<512x1xf32> to vector<512x512xf32>
    %min3A_1234 = vector.broadcast %slice3A_1232 : vector<1x512xf32> to vector<512x512xf32>
    %min3A_1235 = arith.minimumf %min3A_1233, %min3A_1234 : vector<512x512xf32>
    %sub3A_1236 = arith.subf %min3A_1231, %max3A_1223 : vector<512x512xf32>
    %max3A_1237 = arith.constant 0.000000e+00 : f32
    %max3A_1238 = vector.broadcast %max3A_1237 : f32 to vector<512x512xf32>
    %max3A_1239 = arith.maximumf %sub3A_1236, %max3A_1238 : vector<512x512xf32>
    %sub3A_1240 = arith.subf %min3A_1235, %max3A_1227 : vector<512x512xf32>
    %max3A_1241 = arith.constant 0.000000e+00 : f32
    %max3A_1242 = vector.broadcast %max3A_1241 : f32 to vector<512x512xf32>
    %max3A_1243 = arith.maximumf %sub3A_1240, %max3A_1242 : vector<512x512xf32>
    %mul3A_1244 = arith.mulf %max3A_1239, %max3A_1243 : vector<512x512xf32>
    %slice3A_1245 = vector.extract_strided_slice %mul3A_82 {offsets = [0, 4096], sizes = [1, 512], strides = [1, 1]} : vector<1x5120xf32> to vector<1x512xf32>
    %add3A_1246 = vector.broadcast %slice3A_1219 : vector<512x1xf32> to vector<512x512xf32>
    %add3A_1247 = vector.broadcast %slice3A_1245 : vector<1x512xf32> to vector<512x512xf32>
    %add3A_1248 = arith.addf %add3A_1246, %add3A_1247 : vector<512x512xf32>
    %sub3A_1249 = arith.subf %add3A_1248, %mul3A_1244 : vector<512x512xf32>
    %div3A_1250 = arith.divf %mul3A_1244, %sub3A_1249 : vector<512x512xf32>
    %gt3A_1251 = arith.constant 0.699999988 : f32
    %gt3A_1252 = vector.broadcast %gt3A_1251 : f32 to vector<512x512xf32>
    %gt3A_1253 = arith.cmpf ogt, %div3A_1250, %gt3A_1252 : vector<512x512xf32>
    %convert_element_type3A_1254 = arith.extui %gt3A_1253 : vector<512x512xi1> to vector<512x512xi32>
    %convert_element_type3A_1255 = arith.sitofp %convert_element_type3A_1254 : vector<512x512xi32> to vector<512x512xf32>
    %mul3A_1256 = arith.mulf %convert_element_type3A_1255, %convert_element_type3A_84 : vector<512x512xf32>
    %mul3A_1257 = arith.mulf %convert_element_type3A_1255, %convert_element_type3A_87 : vector<512x512xf32>
    %slice3A_1258 = vector.extract_strided_slice %concatenate3A_1214 {offsets = [0, 4096], sizes = [1, 512], strides = [1, 1]} : vector<1x5120xf32> to vector<1x512xf32>
    %mul3A_1259 = vector.broadcast %slice3A_1258 : vector<1x512xf32> to vector<512x512xf32>
    %mul3A_1260 = arith.mulf %convert_element_type3A_89, %mul3A_1259 : vector<512x512xf32>
    %reduce_max3A_1261 = arith.constant dense<0xFF800000> : vector<512xf32>
    %reduce_max3A_1262 = vector.multi_reduction <maximumf>, %mul3A_1260, %reduce_max3A_1261 [1] : vector<512x512xf32> to vector<512xf32>
    %broadcast_in_dim3A_1263 = vector.shape_cast %reduce_max3A_1262 : vector<512xf32> to vector<512x1xf32>
    %mul3A_1264 = vector.broadcast %slice3A_1258 : vector<1x512xf32> to vector<512x512xf32>
    %mul3A_1265 = arith.mulf %mul3A_1256, %mul3A_1264 : vector<512x512xf32>
    %reduce_max3A_1266 = arith.constant dense<0xFF800000> : vector<512xf32>
    %reduce_max3A_1267 = vector.multi_reduction <maximumf>, %mul3A_1265, %reduce_max3A_1266 [1] : vector<512x512xf32> to vector<512xf32>
    %broadcast_in_dim3A_1268 = vector.shape_cast %reduce_max3A_1267 : vector<512xf32> to vector<512x1xf32>
    %mul3A_1269 = vector.broadcast %broadcast_in_dim3A_1263 : vector<512x1xf32> to vector<512x512xf32>
    %mul3A_1270 = arith.mulf %mul3A_1257, %mul3A_1269 : vector<512x512xf32>
    %reduce_max3A_1271 = arith.constant dense<0xFF800000> : vector<512xf32>
    %reduce_max3A_1272 = vector.multi_reduction <maximumf>, %mul3A_1270, %reduce_max3A_1271 [0] : vector<512x512xf32> to vector<512xf32>
    %broadcast_in_dim3A_1273 = vector.shape_cast %reduce_max3A_1272 : vector<512xf32> to vector<1x512xf32>
    %sub3A_1274 = arith.constant 1.000000e+00 : f32
    %sub3A_1275 = vector.broadcast %sub3A_1274 : f32 to vector<512x1xf32>
    %sub3A_1276 = arith.subf %sub3A_1275, %broadcast_in_dim3A_1268 : vector<512x1xf32>
    %mul3A_1277 = arith.mulf %broadcast_in_dim3A_1263, %sub3A_1276 : vector<512x1xf32>
    %sub3A_1278 = arith.constant 1.000000e+00 : f32
    %sub3A_1279 = vector.broadcast %sub3A_1278 : f32 to vector<1x512xf32>
    %sub3A_1280 = arith.subf %sub3A_1279, %broadcast_in_dim3A_1273 : vector<1x512xf32>
    %mul3A_1281 = arith.mulf %slice3A_1258, %sub3A_1280 : vector<1x512xf32>
    %ne3A_1282 = arith.cmpf one, %mul3A_1281, %slice3A_1258 : vector<1x512xf32>
    %reduce_or3A_1283 = arith.constant 1.000000e+00 : f32
    %reduce_or3A_1284 = arith.constant 0.000000e+00 : f32
    %reduce_or3A_1285 = vector.broadcast %reduce_or3A_1283 : f32 to vector<1x512xf32>
    %reduce_or3A_1286 = vector.broadcast %reduce_or3A_1284 : f32 to vector<1x512xf32>
    %reduce_or3A_1287 = arith.select %ne3A_1282, %reduce_or3A_1285, %reduce_or3A_1286 : vector<1x512xi1>, vector<1x512xf32>
    %reduce_or3A_1288 = vector.shape_cast %reduce_or3A_1287 : vector<1x512xf32> to vector<1x1x512xf32>
    %reduce_or3A_1289 = arith.constant dense<0xFF800000> : vector<1xf32>
    %reduce_or3A_1290 = vector.multi_reduction <maximumf>, %reduce_or3A_1288, %reduce_or3A_1289 [1, 2] : vector<1x1x512xf32> to vector<1xf32>
    %reduce_or3A_1291 = vector.shape_cast %reduce_or3A_1290 : vector<1xf32> to vector<1x1x1xf32>
    %reduce_or3A_1292 = vector.extract %reduce_or3A_1291[0, 0, 0] : f32 from vector<1x1x1xf32>
    %reduce_or3A_1293 = arith.constant 0.000000e+00 : f32
    %reduce_or3A_1294 = arith.cmpf ogt, %reduce_or3A_1292, %reduce_or3A_1293 : f32
    %while3A_1295:3 = scf.while (%while3A_1467 = %mul3A_1281, %while3A_1468 = %mul3A_1277, %while3A_1469 = %reduce_or3A_1294) : (vector<1x512xf32>, vector<512x1xf32>, i1) -> (vector<1x512xf32>, vector<512x1xf32>, i1) {
      scf.condition(%while3A_1469) %while3A_1467, %while3A_1468, %while3A_1469 : vector<1x512xf32>, vector<512x1xf32>, i1
    } do {
    ^bb0(%while3A_1467: vector<1x512xf32>, %while3A_1468: vector<512x1xf32>, %while3A_1469: i1):
      %mul3A_1470 = vector.broadcast %while3A_1467 : vector<1x512xf32> to vector<512x512xf32>
      %mul3A_1471 = arith.mulf %mul3A_1256, %mul3A_1470 : vector<512x512xf32>
      %reduce_max3A_1472 = arith.constant dense<0xFF800000> : vector<512xf32>
      %reduce_max3A_1473 = vector.multi_reduction <maximumf>, %mul3A_1471, %reduce_max3A_1472 [1] : vector<512x512xf32> to vector<512xf32>
      %broadcast_in_dim3A_1474 = vector.shape_cast %reduce_max3A_1473 : vector<512xf32> to vector<512x1xf32>
      %mul3A_1475 = vector.broadcast %while3A_1468 : vector<512x1xf32> to vector<512x512xf32>
      %mul3A_1476 = arith.mulf %mul3A_1257, %mul3A_1475 : vector<512x512xf32>
      %reduce_max3A_1477 = arith.constant dense<0xFF800000> : vector<512xf32>
      %reduce_max3A_1478 = vector.multi_reduction <maximumf>, %mul3A_1476, %reduce_max3A_1477 [0] : vector<512x512xf32> to vector<512xf32>
      %broadcast_in_dim3A_1479 = vector.shape_cast %reduce_max3A_1478 : vector<512xf32> to vector<1x512xf32>
      %sub3A_1480 = arith.constant 1.000000e+00 : f32
      %sub3A_1481 = vector.broadcast %sub3A_1480 : f32 to vector<512x1xf32>
      %sub3A_1482 = arith.subf %sub3A_1481, %broadcast_in_dim3A_1474 : vector<512x1xf32>
      %mul3A_1483 = arith.mulf %broadcast_in_dim3A_1263, %sub3A_1482 : vector<512x1xf32>
      %sub3A_1484 = arith.constant 1.000000e+00 : f32
      %sub3A_1485 = vector.broadcast %sub3A_1484 : f32 to vector<1x512xf32>
      %sub3A_1486 = arith.subf %sub3A_1485, %broadcast_in_dim3A_1479 : vector<1x512xf32>
      %mul3A_1487 = arith.mulf %slice3A_1258, %sub3A_1486 : vector<1x512xf32>
      %ne3A_1488 = arith.cmpf one, %mul3A_1487, %while3A_1467 : vector<1x512xf32>
      %reduce_or3A_1489 = arith.constant 1.000000e+00 : f32
      %reduce_or3A_1490 = arith.constant 0.000000e+00 : f32
      %reduce_or3A_1491 = vector.broadcast %reduce_or3A_1489 : f32 to vector<1x512xf32>
      %reduce_or3A_1492 = vector.broadcast %reduce_or3A_1490 : f32 to vector<1x512xf32>
      %reduce_or3A_1493 = arith.select %ne3A_1488, %reduce_or3A_1491, %reduce_or3A_1492 : vector<1x512xi1>, vector<1x512xf32>
      %reduce_or3A_1494 = vector.shape_cast %reduce_or3A_1493 : vector<1x512xf32> to vector<1x1x512xf32>
      %reduce_or3A_1495 = arith.constant dense<0xFF800000> : vector<1xf32>
      %reduce_or3A_1496 = vector.multi_reduction <maximumf>, %reduce_or3A_1494, %reduce_or3A_1495 [1, 2] : vector<1x1x512xf32> to vector<1xf32>
      %reduce_or3A_1497 = vector.shape_cast %reduce_or3A_1496 : vector<1xf32> to vector<1x1x1xf32>
      %reduce_or3A_1498 = vector.extract %reduce_or3A_1497[0, 0, 0] : f32 from vector<1x1x1xf32>
      %reduce_or3A_1499 = arith.constant 0.000000e+00 : f32
      %reduce_or3A_1500 = arith.cmpf ogt, %reduce_or3A_1498, %reduce_or3A_1499 : f32
      scf.yield %mul3A_1487, %mul3A_1483, %reduce_or3A_1500 : vector<1x512xf32>, vector<512x1xf32>, i1
    }
    %slice3A_1296 = vector.extract_strided_slice %concatenate3A_1214 {offsets = [0, 0], sizes = [1, 4096], strides = [1, 1]} : vector<1x5120xf32> to vector<1x4096xf32>
    %gt3A_1297 = arith.constant 0.000000e+00 : f32
    %gt3A_1298 = vector.broadcast %gt3A_1297 : f32 to vector<512x1xf32>
    %gt3A_1299 = arith.cmpf ogt, %while3A_1295#1, %gt3A_1298 : vector<512x1xf32>
    %jit3A_1300 = arith.constant 4.000000e+09 : f32
    %broadcast_in_dim3A_1301 = vector.broadcast %jit3A_1300 : f32 to vector<512x1xf32>
    %select_n3A_1302 = arith.select %gt3A_1299, %slice3A_1215, %broadcast_in_dim3A_1301 : vector<512x1xi1>, vector<512x1xf32>
    %jit3A_1303 = arith.constant 4.000000e+09 : f32
    %broadcast_in_dim3A_1304 = vector.broadcast %jit3A_1303 : f32 to vector<512x1xf32>
    %select_n3A_1305 = arith.select %gt3A_1299, %slice3A_1216, %broadcast_in_dim3A_1304 : vector<512x1xi1>, vector<512x1xf32>
    %jit3A_1306 = arith.constant -4.000000e+09 : f32
    %broadcast_in_dim3A_1307 = vector.broadcast %jit3A_1306 : f32 to vector<512x1xf32>
    %select_n3A_1308 = arith.select %gt3A_1299, %slice3A_1217, %broadcast_in_dim3A_1307 : vector<512x1xi1>, vector<512x1xf32>
    %jit3A_1309 = arith.constant -4.000000e+09 : f32
    %broadcast_in_dim3A_1310 = vector.broadcast %jit3A_1309 : f32 to vector<512x1xf32>
    %select_n3A_1311 = arith.select %gt3A_1299, %slice3A_1218, %broadcast_in_dim3A_1310 : vector<512x1xi1>, vector<512x1xf32>
    %jit3A_1312 = arith.constant 1.000000e+00 : f32
    %broadcast_in_dim3A_1313 = vector.broadcast %jit3A_1312 : f32 to vector<512x1xf32>
    %select_n3A_1314 = arith.select %gt3A_1299, %slice3A_1219, %broadcast_in_dim3A_1313 : vector<512x1xi1>, vector<512x1xf32>
    %slice3A_1315 = vector.extract_strided_slice %sub3A_67 {offsets = [0, 4608], sizes = [1, 512], strides = [1, 1]} : vector<1x5120xf32> to vector<1x512xf32>
    %max3A_1316 = vector.broadcast %select_n3A_1302 : vector<512x1xf32> to vector<512x512xf32>
    %max3A_1317 = vector.broadcast %slice3A_1315 : vector<1x512xf32> to vector<512x512xf32>
    %max3A_1318 = arith.maximumf %max3A_1316, %max3A_1317 : vector<512x512xf32>
    %slice3A_1319 = vector.extract_strided_slice %sub3A_71 {offsets = [0, 4608], sizes = [1, 512], strides = [1, 1]} : vector<1x5120xf32> to vector<1x512xf32>
    %max3A_1320 = vector.broadcast %select_n3A_1305 : vector<512x1xf32> to vector<512x512xf32>
    %max3A_1321 = vector.broadcast %slice3A_1319 : vector<1x512xf32> to vector<512x512xf32>
    %max3A_1322 = arith.maximumf %max3A_1320, %max3A_1321 : vector<512x512xf32>
    %slice3A_1323 = vector.extract_strided_slice %add3A_75 {offsets = [0, 4608], sizes = [1, 512], strides = [1, 1]} : vector<1x5120xf32> to vector<1x512xf32>
    %min3A_1324 = vector.broadcast %select_n3A_1308 : vector<512x1xf32> to vector<512x512xf32>
    %min3A_1325 = vector.broadcast %slice3A_1323 : vector<1x512xf32> to vector<512x512xf32>
    %min3A_1326 = arith.minimumf %min3A_1324, %min3A_1325 : vector<512x512xf32>
    %slice3A_1327 = vector.extract_strided_slice %add3A_79 {offsets = [0, 4608], sizes = [1, 512], strides = [1, 1]} : vector<1x5120xf32> to vector<1x512xf32>
    %min3A_1328 = vector.broadcast %select_n3A_1311 : vector<512x1xf32> to vector<512x512xf32>
    %min3A_1329 = vector.broadcast %slice3A_1327 : vector<1x512xf32> to vector<512x512xf32>
    %min3A_1330 = arith.minimumf %min3A_1328, %min3A_1329 : vector<512x512xf32>
    %sub3A_1331 = arith.subf %min3A_1326, %max3A_1318 : vector<512x512xf32>
    %max3A_1332 = arith.constant 0.000000e+00 : f32
    %max3A_1333 = vector.broadcast %max3A_1332 : f32 to vector<512x512xf32>
    %max3A_1334 = arith.maximumf %sub3A_1331, %max3A_1333 : vector<512x512xf32>
    %sub3A_1335 = arith.subf %min3A_1330, %max3A_1322 : vector<512x512xf32>
    %max3A_1336 = arith.constant 0.000000e+00 : f32
    %max3A_1337 = vector.broadcast %max3A_1336 : f32 to vector<512x512xf32>
    %max3A_1338 = arith.maximumf %sub3A_1335, %max3A_1337 : vector<512x512xf32>
    %mul3A_1339 = arith.mulf %max3A_1334, %max3A_1338 : vector<512x512xf32>
    %slice3A_1340 = vector.extract_strided_slice %mul3A_82 {offsets = [0, 4608], sizes = [1, 512], strides = [1, 1]} : vector<1x5120xf32> to vector<1x512xf32>
    %add3A_1341 = vector.broadcast %select_n3A_1314 : vector<512x1xf32> to vector<512x512xf32>
    %add3A_1342 = vector.broadcast %slice3A_1340 : vector<1x512xf32> to vector<512x512xf32>
    %add3A_1343 = arith.addf %add3A_1341, %add3A_1342 : vector<512x512xf32>
    %sub3A_1344 = arith.subf %add3A_1343, %mul3A_1339 : vector<512x512xf32>
    %div3A_1345 = arith.divf %mul3A_1339, %sub3A_1344 : vector<512x512xf32>
    %reduce_max3A_1346 = arith.constant dense<0xFF800000> : vector<512xf32>
    %reduce_max3A_1347 = vector.multi_reduction <maximumf>, %div3A_1345, %reduce_max3A_1346 [0] : vector<512x512xf32> to vector<512xf32>
    %broadcast_in_dim3A_1348 = vector.shape_cast %reduce_max3A_1347 : vector<512xf32> to vector<1x512xf32>
    %gt3A_1349 = arith.constant 0.699999988 : f32
    %gt3A_1350 = vector.broadcast %gt3A_1349 : f32 to vector<1x512xf32>
    %gt3A_1351 = arith.cmpf ogt, %broadcast_in_dim3A_1348, %gt3A_1350 : vector<1x512xf32>
    %slice3A_1352 = vector.extract_strided_slice %concatenate3A_1214 {offsets = [0, 4608], sizes = [1, 512], strides = [1, 1]} : vector<1x5120xf32> to vector<1x512xf32>
    %jit3A_1353 = arith.constant 0.000000e+00 : f32
    %broadcast_in_dim3A_1354 = vector.broadcast %jit3A_1353 : f32 to vector<1x512xf32>
    %select_n3A_1355 = arith.select %gt3A_1351, %broadcast_in_dim3A_1354, %slice3A_1352 : vector<1x512xi1>, vector<1x512xf32>
    %concatenate3A_1356 = tpu.concatenate %slice3A_1296, %while3A_1295#0, %select_n3A_1355 in 1 : vector<1x4096xf32>, vector<1x512xf32>, vector<1x512xf32> -> vector<1x5120xf32>
    %slice3A_1357 = vector.extract_strided_slice %sub3A {offsets = [4608, 0], sizes = [512, 1], strides = [1, 1]} : vector<5120x1xf32> to vector<512x1xf32>
    %slice3A_1358 = vector.extract_strided_slice %sub3A_27 {offsets = [4608, 0], sizes = [512, 1], strides = [1, 1]} : vector<5120x1xf32> to vector<512x1xf32>
    %slice3A_1359 = vector.extract_strided_slice %add3A_31 {offsets = [4608, 0], sizes = [512, 1], strides = [1, 1]} : vector<5120x1xf32> to vector<512x1xf32>
    %slice3A_1360 = vector.extract_strided_slice %add3A_35 {offsets = [4608, 0], sizes = [512, 1], strides = [1, 1]} : vector<5120x1xf32> to vector<512x1xf32>
    %slice3A_1361 = vector.extract_strided_slice %mul3A_38 {offsets = [4608, 0], sizes = [512, 1], strides = [1, 1]} : vector<5120x1xf32> to vector<512x1xf32>
    %slice3A_1362 = vector.extract_strided_slice %sub3A_67 {offsets = [0, 4608], sizes = [1, 512], strides = [1, 1]} : vector<1x5120xf32> to vector<1x512xf32>
    %max3A_1363 = vector.broadcast %slice3A_1357 : vector<512x1xf32> to vector<512x512xf32>
    %max3A_1364 = vector.broadcast %slice3A_1362 : vector<1x512xf32> to vector<512x512xf32>
    %max3A_1365 = arith.maximumf %max3A_1363, %max3A_1364 : vector<512x512xf32>
    %slice3A_1366 = vector.extract_strided_slice %sub3A_71 {offsets = [0, 4608], sizes = [1, 512], strides = [1, 1]} : vector<1x5120xf32> to vector<1x512xf32>
    %max3A_1367 = vector.broadcast %slice3A_1358 : vector<512x1xf32> to vector<512x512xf32>
    %max3A_1368 = vector.broadcast %slice3A_1366 : vector<1x512xf32> to vector<512x512xf32>
    %max3A_1369 = arith.maximumf %max3A_1367, %max3A_1368 : vector<512x512xf32>
    %slice3A_1370 = vector.extract_strided_slice %add3A_75 {offsets = [0, 4608], sizes = [1, 512], strides = [1, 1]} : vector<1x5120xf32> to vector<1x512xf32>
    %min3A_1371 = vector.broadcast %slice3A_1359 : vector<512x1xf32> to vector<512x512xf32>
    %min3A_1372 = vector.broadcast %slice3A_1370 : vector<1x512xf32> to vector<512x512xf32>
    %min3A_1373 = arith.minimumf %min3A_1371, %min3A_1372 : vector<512x512xf32>
    %slice3A_1374 = vector.extract_strided_slice %add3A_79 {offsets = [0, 4608], sizes = [1, 512], strides = [1, 1]} : vector<1x5120xf32> to vector<1x512xf32>
    %min3A_1375 = vector.broadcast %slice3A_1360 : vector<512x1xf32> to vector<512x512xf32>
    %min3A_1376 = vector.broadcast %slice3A_1374 : vector<1x512xf32> to vector<512x512xf32>
    %min3A_1377 = arith.minimumf %min3A_1375, %min3A_1376 : vector<512x512xf32>
    %sub3A_1378 = arith.subf %min3A_1373, %max3A_1365 : vector<512x512xf32>
    %max3A_1379 = arith.constant 0.000000e+00 : f32
    %max3A_1380 = vector.broadcast %max3A_1379 : f32 to vector<512x512xf32>
    %max3A_1381 = arith.maximumf %sub3A_1378, %max3A_1380 : vector<512x512xf32>
    %sub3A_1382 = arith.subf %min3A_1377, %max3A_1369 : vector<512x512xf32>
    %max3A_1383 = arith.constant 0.000000e+00 : f32
    %max3A_1384 = vector.broadcast %max3A_1383 : f32 to vector<512x512xf32>
    %max3A_1385 = arith.maximumf %sub3A_1382, %max3A_1384 : vector<512x512xf32>
    %mul3A_1386 = arith.mulf %max3A_1381, %max3A_1385 : vector<512x512xf32>
    %slice3A_1387 = vector.extract_strided_slice %mul3A_82 {offsets = [0, 4608], sizes = [1, 512], strides = [1, 1]} : vector<1x5120xf32> to vector<1x512xf32>
    %add3A_1388 = vector.broadcast %slice3A_1361 : vector<512x1xf32> to vector<512x512xf32>
    %add3A_1389 = vector.broadcast %slice3A_1387 : vector<1x512xf32> to vector<512x512xf32>
    %add3A_1390 = arith.addf %add3A_1388, %add3A_1389 : vector<512x512xf32>
    %sub3A_1391 = arith.subf %add3A_1390, %mul3A_1386 : vector<512x512xf32>
    %div3A_1392 = arith.divf %mul3A_1386, %sub3A_1391 : vector<512x512xf32>
    %gt3A_1393 = arith.constant 0.699999988 : f32
    %gt3A_1394 = vector.broadcast %gt3A_1393 : f32 to vector<512x512xf32>
    %gt3A_1395 = arith.cmpf ogt, %div3A_1392, %gt3A_1394 : vector<512x512xf32>
    %convert_element_type3A_1396 = arith.extui %gt3A_1395 : vector<512x512xi1> to vector<512x512xi32>
    %convert_element_type3A_1397 = arith.sitofp %convert_element_type3A_1396 : vector<512x512xi32> to vector<512x512xf32>
    %mul3A_1398 = arith.mulf %convert_element_type3A_1397, %convert_element_type3A_84 : vector<512x512xf32>
    %mul3A_1399 = arith.mulf %convert_element_type3A_1397, %convert_element_type3A_87 : vector<512x512xf32>
    %slice3A_1400 = vector.extract_strided_slice %concatenate3A_1356 {offsets = [0, 4608], sizes = [1, 512], strides = [1, 1]} : vector<1x5120xf32> to vector<1x512xf32>
    %mul3A_1401 = vector.broadcast %slice3A_1400 : vector<1x512xf32> to vector<512x512xf32>
    %mul3A_1402 = arith.mulf %convert_element_type3A_89, %mul3A_1401 : vector<512x512xf32>
    %reduce_max3A_1403 = arith.constant dense<0xFF800000> : vector<512xf32>
    %reduce_max3A_1404 = vector.multi_reduction <maximumf>, %mul3A_1402, %reduce_max3A_1403 [1] : vector<512x512xf32> to vector<512xf32>
    %broadcast_in_dim3A_1405 = vector.shape_cast %reduce_max3A_1404 : vector<512xf32> to vector<512x1xf32>
    %mul3A_1406 = vector.broadcast %slice3A_1400 : vector<1x512xf32> to vector<512x512xf32>
    %mul3A_1407 = arith.mulf %mul3A_1398, %mul3A_1406 : vector<512x512xf32>
    %reduce_max3A_1408 = arith.constant dense<0xFF800000> : vector<512xf32>
    %reduce_max3A_1409 = vector.multi_reduction <maximumf>, %mul3A_1407, %reduce_max3A_1408 [1] : vector<512x512xf32> to vector<512xf32>
    %broadcast_in_dim3A_1410 = vector.shape_cast %reduce_max3A_1409 : vector<512xf32> to vector<512x1xf32>
    %mul3A_1411 = vector.broadcast %broadcast_in_dim3A_1405 : vector<512x1xf32> to vector<512x512xf32>
    %mul3A_1412 = arith.mulf %mul3A_1399, %mul3A_1411 : vector<512x512xf32>
    %reduce_max3A_1413 = arith.constant dense<0xFF800000> : vector<512xf32>
    %reduce_max3A_1414 = vector.multi_reduction <maximumf>, %mul3A_1412, %reduce_max3A_1413 [0] : vector<512x512xf32> to vector<512xf32>
    %broadcast_in_dim3A_1415 = vector.shape_cast %reduce_max3A_1414 : vector<512xf32> to vector<1x512xf32>
    %sub3A_1416 = arith.constant 1.000000e+00 : f32
    %sub3A_1417 = vector.broadcast %sub3A_1416 : f32 to vector<512x1xf32>
    %sub3A_1418 = arith.subf %sub3A_1417, %broadcast_in_dim3A_1410 : vector<512x1xf32>
    %mul3A_1419 = arith.mulf %broadcast_in_dim3A_1405, %sub3A_1418 : vector<512x1xf32>
    %sub3A_1420 = arith.constant 1.000000e+00 : f32
    %sub3A_1421 = vector.broadcast %sub3A_1420 : f32 to vector<1x512xf32>
    %sub3A_1422 = arith.subf %sub3A_1421, %broadcast_in_dim3A_1415 : vector<1x512xf32>
    %mul3A_1423 = arith.mulf %slice3A_1400, %sub3A_1422 : vector<1x512xf32>
    %ne3A_1424 = arith.cmpf one, %mul3A_1423, %slice3A_1400 : vector<1x512xf32>
    %reduce_or3A_1425 = arith.constant 1.000000e+00 : f32
    %reduce_or3A_1426 = arith.constant 0.000000e+00 : f32
    %reduce_or3A_1427 = vector.broadcast %reduce_or3A_1425 : f32 to vector<1x512xf32>
    %reduce_or3A_1428 = vector.broadcast %reduce_or3A_1426 : f32 to vector<1x512xf32>
    %reduce_or3A_1429 = arith.select %ne3A_1424, %reduce_or3A_1427, %reduce_or3A_1428 : vector<1x512xi1>, vector<1x512xf32>
    %reduce_or3A_1430 = vector.shape_cast %reduce_or3A_1429 : vector<1x512xf32> to vector<1x1x512xf32>
    %reduce_or3A_1431 = arith.constant dense<0xFF800000> : vector<1xf32>
    %reduce_or3A_1432 = vector.multi_reduction <maximumf>, %reduce_or3A_1430, %reduce_or3A_1431 [1, 2] : vector<1x1x512xf32> to vector<1xf32>
    %reduce_or3A_1433 = vector.shape_cast %reduce_or3A_1432 : vector<1xf32> to vector<1x1x1xf32>
    %reduce_or3A_1434 = vector.extract %reduce_or3A_1433[0, 0, 0] : f32 from vector<1x1x1xf32>
    %reduce_or3A_1435 = arith.constant 0.000000e+00 : f32
    %reduce_or3A_1436 = arith.cmpf ogt, %reduce_or3A_1434, %reduce_or3A_1435 : f32
    %while3A_1437:3 = scf.while (%while3A_1467 = %mul3A_1423, %while3A_1468 = %mul3A_1419, %while3A_1469 = %reduce_or3A_1436) : (vector<1x512xf32>, vector<512x1xf32>, i1) -> (vector<1x512xf32>, vector<512x1xf32>, i1) {
      scf.condition(%while3A_1469) %while3A_1467, %while3A_1468, %while3A_1469 : vector<1x512xf32>, vector<512x1xf32>, i1
    } do {
    ^bb0(%while3A_1467: vector<1x512xf32>, %while3A_1468: vector<512x1xf32>, %while3A_1469: i1):
      %mul3A_1470 = vector.broadcast %while3A_1467 : vector<1x512xf32> to vector<512x512xf32>
      %mul3A_1471 = arith.mulf %mul3A_1398, %mul3A_1470 : vector<512x512xf32>
      %reduce_max3A_1472 = arith.constant dense<0xFF800000> : vector<512xf32>
      %reduce_max3A_1473 = vector.multi_reduction <maximumf>, %mul3A_1471, %reduce_max3A_1472 [1] : vector<512x512xf32> to vector<512xf32>
      %broadcast_in_dim3A_1474 = vector.shape_cast %reduce_max3A_1473 : vector<512xf32> to vector<512x1xf32>
      %mul3A_1475 = vector.broadcast %while3A_1468 : vector<512x1xf32> to vector<512x512xf32>
      %mul3A_1476 = arith.mulf %mul3A_1399, %mul3A_1475 : vector<512x512xf32>
      %reduce_max3A_1477 = arith.constant dense<0xFF800000> : vector<512xf32>
      %reduce_max3A_1478 = vector.multi_reduction <maximumf>, %mul3A_1476, %reduce_max3A_1477 [0] : vector<512x512xf32> to vector<512xf32>
      %broadcast_in_dim3A_1479 = vector.shape_cast %reduce_max3A_1478 : vector<512xf32> to vector<1x512xf32>
      %sub3A_1480 = arith.constant 1.000000e+00 : f32
      %sub3A_1481 = vector.broadcast %sub3A_1480 : f32 to vector<512x1xf32>
      %sub3A_1482 = arith.subf %sub3A_1481, %broadcast_in_dim3A_1474 : vector<512x1xf32>
      %mul3A_1483 = arith.mulf %broadcast_in_dim3A_1405, %sub3A_1482 : vector<512x1xf32>
      %sub3A_1484 = arith.constant 1.000000e+00 : f32
      %sub3A_1485 = vector.broadcast %sub3A_1484 : f32 to vector<1x512xf32>
      %sub3A_1486 = arith.subf %sub3A_1485, %broadcast_in_dim3A_1479 : vector<1x512xf32>
      %mul3A_1487 = arith.mulf %slice3A_1400, %sub3A_1486 : vector<1x512xf32>
      %ne3A_1488 = arith.cmpf one, %mul3A_1487, %while3A_1467 : vector<1x512xf32>
      %reduce_or3A_1489 = arith.constant 1.000000e+00 : f32
      %reduce_or3A_1490 = arith.constant 0.000000e+00 : f32
      %reduce_or3A_1491 = vector.broadcast %reduce_or3A_1489 : f32 to vector<1x512xf32>
      %reduce_or3A_1492 = vector.broadcast %reduce_or3A_1490 : f32 to vector<1x512xf32>
      %reduce_or3A_1493 = arith.select %ne3A_1488, %reduce_or3A_1491, %reduce_or3A_1492 : vector<1x512xi1>, vector<1x512xf32>
      %reduce_or3A_1494 = vector.shape_cast %reduce_or3A_1493 : vector<1x512xf32> to vector<1x1x512xf32>
      %reduce_or3A_1495 = arith.constant dense<0xFF800000> : vector<1xf32>
      %reduce_or3A_1496 = vector.multi_reduction <maximumf>, %reduce_or3A_1494, %reduce_or3A_1495 [1, 2] : vector<1x1x512xf32> to vector<1xf32>
      %reduce_or3A_1497 = vector.shape_cast %reduce_or3A_1496 : vector<1xf32> to vector<1x1x1xf32>
      %reduce_or3A_1498 = vector.extract %reduce_or3A_1497[0, 0, 0] : f32 from vector<1x1x1xf32>
      %reduce_or3A_1499 = arith.constant 0.000000e+00 : f32
      %reduce_or3A_1500 = arith.cmpf ogt, %reduce_or3A_1498, %reduce_or3A_1499 : f32
      scf.yield %mul3A_1487, %mul3A_1483, %reduce_or3A_1500 : vector<1x512xf32>, vector<512x1xf32>, i1
    }
    %slice3A_1438 = vector.extract_strided_slice %concatenate3A_1356 {offsets = [0, 0], sizes = [1, 4608], strides = [1, 1]} : vector<1x5120xf32> to vector<1x4608xf32>
    %concatenate3A_1439 = tpu.concatenate %slice3A_1438, %while3A_1437#0 in 1 : vector<1x4608xf32>, vector<1x512xf32> -> vector<1x5120xf32>
    %mul3A_1440 = arith.mulf %sub3A_67, %concatenate3A_1439 : vector<1x5120xf32>
    %swap3A = arith.constant 0 : index
    %swap3A_1441 = arith.constant 0 : index
    %swap3A_1442 = vector.load %arg3[%swap3A, %swap3A_1441] : memref<8x5120xf32, #tpu.memory_space<vmem>>, vector<1x5120xf32>
    tpu.vector_store %arg3[%swap3A, %swap3A_1441], %mul3A_1440 {strides = array<i32>} : memref<8x5120xf32, #tpu.memory_space<vmem>>, vector<1x5120xf32>,
    %mul3A_1443 = arith.mulf %sub3A_71, %concatenate3A_1439 : vector<1x5120xf32>
    %swap3A_1444 = arith.constant 1 : index
    %swap3A_1445 = arith.constant 0 : index
    %swap3A_1446 = vector.load %arg3[%swap3A_1444, %swap3A_1445] : memref<8x5120xf32, #tpu.memory_space<vmem>>, vector<1x5120xf32>
    tpu.vector_store %arg3[%swap3A_1444, %swap3A_1445], %mul3A_1443 {strides = array<i32>} : memref<8x5120xf32, #tpu.memory_space<vmem>>, vector<1x5120xf32>,
    %mul3A_1447 = arith.mulf %add3A_75, %concatenate3A_1439 : vector<1x5120xf32>
    %swap3A_1448 = arith.constant 2 : index
    %swap3A_1449 = arith.constant 0 : index
    %swap3A_1450 = vector.load %arg3[%swap3A_1448, %swap3A_1449] : memref<8x5120xf32, #tpu.memory_space<vmem>>, vector<1x5120xf32>
    tpu.vector_store %arg3[%swap3A_1448, %swap3A_1449], %mul3A_1447 {strides = array<i32>} : memref<8x5120xf32, #tpu.memory_space<vmem>>, vector<1x5120xf32>,
    %mul3A_1451 = arith.mulf %add3A_79, %concatenate3A_1439 : vector<1x5120xf32>
    %swap3A_1452 = arith.constant 3 : index
    %swap3A_1453 = arith.constant 0 : index
    %swap3A_1454 = vector.load %arg3[%swap3A_1452, %swap3A_1453] : memref<8x5120xf32, #tpu.memory_space<vmem>>, vector<1x5120xf32>
    tpu.vector_store %arg3[%swap3A_1452, %swap3A_1453], %mul3A_1451 {strides = array<i32>} : memref<8x5120xf32, #tpu.memory_space<vmem>>, vector<1x5120xf32>,
    %get3A_1455 = arith.constant 0 : index
    %get3A_1456 = arith.constant 0 : index
    %get3A_1457 = vector.load %arg2[%get3A_1455, %get3A_1456] : memref<1x5120xf32, #tpu.memory_space<vmem>>, vector<1x5120xf32>
    %mul3A_1458 = arith.mulf %get3A_1457, %concatenate3A_1439 : vector<1x5120xf32>
    %swap3A_1459 = arith.constant 4 : index
    %swap3A_1460 = arith.constant 0 : index
    %swap3A_1461 = vector.load %arg3[%swap3A_1459, %swap3A_1460] : memref<8x5120xf32, #tpu.memory_space<vmem>>, vector<1x5120xf32>
    tpu.vector_store %arg3[%swap3A_1459, %swap3A_1460], %mul3A_1458 {strides = array<i32>} : memref<8x5120xf32, #tpu.memory_space<vmem>>, vector<1x5120xf32>,
    %broadcast_in_dim3A_1462 = arith.constant 0.000000e+00 : f32
    %broadcast_in_dim3A_1463 = vector.broadcast %broadcast_in_dim3A_1462 : f32 to vector<3x5120xf32>
    %swap3A_1464 = arith.constant 5 : index
    %swap3A_1465 = arith.constant 0 : index
    %swap3A_1466 = vector.load %arg3[%swap3A_1464, %swap3A_1465] : memref<8x5120xf32, #tpu.memory_space<vmem>>, vector<3x5120xf32>
    tpu.vector_store %arg3[%swap3A_1464, %swap3A_1465], %broadcast_in_dim3A_1463 {strides = array<i32>} : memref<8x5120xf32, #tpu.memory_space<vmem>>, vector<3x5120xf32>,
    return
  }
}

</mosaic_0001>

<sc_bundles>
// kernel: gather_offload_async_start
scs
__scs_entry_jumppad:
0x0: {  	(pc) =	sbr.rel $0x88, $3  }
0x1: {  	(tag) =	ssettag $0x0;
	lr =	simm.s32 $0x1  }
0x2: {  	[smem:$0x3F9F] =	sst lr;
	_ =	strace $0xD0000000  }
0x3: {  	_ = 	snop  }
0x4: {  	_ = 	snop  }
0x5: {  	_ = 	snop  }
0x6: {  	_ = 	snop  }
0x7: {  	_ = 	snop  }
__scs_overlays_trampoline_lowered:
0x8: {  	[smem:$0x3FAE] =	sst s0  }
0x9: {  	[smem:$0x3FAF] =	sst s1  }
0xa: {  	[smem:$0x3FB0] =	sst s2  }
0xb: {  	[smem:$0x3FB1] =	sst s3  }
0xc: {  	[smem:$0x3FB2] =	sst s4  }
0xd: {  	[smem:$0x3FB3] =	sst s5  }
0xe: {  	[smem:$0x3FB4] =	sst s6  }
0xf: {  	[smem:$0x3FB5] =	sst s7  }
0x10: {  	[smem:$0x3FB6] =	sst s8  }
0x11: {  	[smem:$0x3FB7] =	sst s9;
	s0 =	simm.s32 @!p0 $0x0  }
0x12: {  	s1 =	sld [smem:$0x3F9D];
	s0 =	simm.s32 @p0 $0x1  }
0x13: {  	[smem:$0x3FB8] =	sst s0;
	s0 =	simm.s32 @!p1 $0x0  }
0x14: {  	s2 =	sld [smem:$0x3F9C];
	s0 =	simm.s32 @p1 $0x1  }
0x15: {  	[smem:$0x3FB9] =	sst s0;
	s0 =	simm.s32 @!p2 $0x0  }
0x16: {  	s3 =	sld [smem:$0x3FDB];
	s0 =	simm.s32 @p2 $0x1  }
0x17: {  	s4 =	simm.s32 $0x1BF5;
	[smem:$0x3FBB] =	sst s0  }
0x18: {  	s0 =	sld [smem:$0x3F9E];
	_ =	swait.ge [sflag:s4], $0x0  }
0x19: {  	s7 =	sld [smem:$0x3F9F]  }
0x1a: {  	s8 =	sadd.s32 $0xFFFFE003, lr  }
0x1b: {  	s9 =	sadd.s32 $0xFFFFFEF7, lr;
	s5 =	simm.s32 $0xFFFFFFFF;
	p2 =	slt.u32 s8, $0xFFFFF086  }
0x1c: {  	p1 =	slt.u32 s9, $0xF7A;
	s5 =	simm.s32 @!p2 $0x0  }
0x1d: {  	s5 =	simm.s32 @p1 $0x1;
	p0 =	seq.s32 s7, s2  }
0x1e: {  	s7 =	smul.u32 @!p0 $0xF7A, s2;
	p2 =	seq.s32 @!p0 s5, $0x0  }
0x1f: {  	s9 =	smul.u32 $0xF7A, s1;
	s8 =	simm.s32 @!p0 $0x1BF5;
	p2 =	por !p2, p0  }
0x20: {  	[sflag:s8] =	ssyncset.s32 @!p0 $0xFFFFF086;
	s6 =	sadd.s32 @!p0 s3, s7;
	s7 =	simm.s32 @!p0 $0x108  }
0x21: {  	s3 =	sadd.s32 s3, s9;
	s6 =	sadd.s32 @!p0 $0x88, s6;
	s7 =	simm.s32 @p2 $0x1082  }
0x22: {  	[simem:s7], [sflag:s8] =	dma.local @!p0 [hbm:s6], $0xF7A  }
0x23: {  	s9 =	sor.u32 $0xD0000000, s2;
	s6 =	simm.s32 $0x108;
	_ =	swait.ge @!p0 [sflag:s8], $0x0  }
0x24: {  	s3 =	sadd.s32 $0x88, s3;
	s6 =	simm.s32 @!p1 $0x1082;
	[sflag:s4] =	ssyncset.s32 $0xFFFFF086  }
0x25: {  	[simem:s6], [sflag:s4] =	dma.local [hbm:s3], $0xF7A  }
0x26: {  	[smem:$0x3F9F] =	sst s1;
	(tag) =	ssettag s2;
	_ =	strace s9  }
0x27: {  	s1 =	sld [smem:$0x3FAF]  }
0x28: {  	s2 =	sld [smem:$0x3FB0]  }
0x29: {  	s4 =	sld [smem:$0x3FB2]  }
0x2a: {  	p0 =	seq.s32 s5, $0x0;
	s5 =	sld [smem:$0x3FB3]  }
0x2b: {  	s6 =	sld [smem:$0x3FB4]  }
0x2c: {  	s7 =	sld [smem:$0x3FB5]  }
0x2d: {  	s3 =	simm.s32 $0x108;
	s8 =	sld [smem:$0x3FB6]  }
0x2e: {  	s3 =	simm.s32 @!p0 $0x1082;
	s9 =	sld [smem:$0x3FB7]  }
0x2f: {  	lr =	sadd.s32 s0, s3;
	s0 =	sld [smem:$0x3FAE]  }
0x30: {  	s3 =	sld [smem:$0x3FB1]  }
0x31: {  	[smem:$0x3FBA] =	sst s10  }
0x32: {  	s10 =	sld [smem:$0x3FB8];
	_ =	sdelay $0x3  }
0x33: {  	p0 =	seq.s32 s10, $0x1;
	s10 =	sld [smem:$0x3FBA];
	_ =	sdelay $0x3  }
0x34: {  	[smem:$0x3FBA] =	sst s10  }
0x35: {  	s10 =	sld [smem:$0x3FB9];
	_ =	sdelay $0x3  }
0x36: {  	p1 =	seq.s32 s10, $0x1;
	s10 =	sld [smem:$0x3FBA];
	_ =	sdelay $0x3  }
0x37: {  	[smem:$0x3FBA] =	sst s10  }
0x38: {  	s10 =	sld [smem:$0x3FBB]  }
0x39: {  	_ = 	snop;
	(pc) =	sbr.ind lr, $3  }
0x3a: {  	_ = 	snop  }
0x3b: {  	_ = 	snop  }
0x3c: {  	p2 =	seq.s32 s10, $0x1;
	s10 =	sld [smem:$0x3FBA]  }
0x3d: {  	_ =	shalt  }
0x3e: {  	_ =	shalt  }
0x3f: {  	_ =	shalt  }
0x40: {  	_ =	shalt  }
0x41: {  	_ =	shalt  }
0x42: {  	_ =	shalt  }
0x43: {  	_ =	shalt  }
0x44: {  	_ =	shalt  }
0x45: {  	_ =	shalt  }
0x46: {  	_ =	shalt  }
0x47: {  	_ =	shalt  }
0x48: {  	_ =	shalt  }
0x49: {  	_ =	shalt  }
0x4a: {  	_ =	shalt  }
0x4b: {  	_ =	shalt  }
0x4c: {  	_ =	shalt  }
0x4d: {  	_ =	shalt  }
0x4e: {  	_ =	shalt  }
0x4f: {  	_ =	shalt  }
0x50: {  	_ =	shalt  }
0x51: {  	_ =	shalt  }
0x52: {  	_ =	shalt  }
0x53: {  	_ =	shalt  }
0x54: {  	_ =	shalt  }
0x55: {  	_ =	shalt  }
0x56: {  	_ =	shalt  }
0x57: {  	_ =	shalt  }
0x58: {  	_ =	shalt  }
0x59: {  	_ =	shalt  }
0x5a: {  	_ =	shalt  }
0x5b: {  	_ =	shalt  }
0x5c: {  	_ =	shalt  }
0x5d: {  	_ =	shalt  }
0x5e: {  	_ =	shalt  }
0x5f: {  	_ =	shalt  }
0x60: {  	_ =	shalt  }
0x61: {  	_ =	shalt  }
0x62: {  	_ =	shalt  }
0x63: {  	_ =	shalt  }
0x64: {  	_ =	shalt  }
0x65: {  	_ =	shalt  }
0x66: {  	_ =	shalt  }
0x67: {  	_ =	shalt  }
0x68: {  	_ =	shalt  }
0x69: {  	_ =	shalt  }
0x6a: {  	_ =	shalt  }
0x6b: {  	_ =	shalt  }
0x6c: {  	_ =	shalt  }
0x6d: {  	_ =	shalt  }
0x6e: {  	_ =	shalt  }
0x6f: {  	_ =	shalt  }
0x70: {  	_ =	shalt  }
0x71: {  	_ =	shalt  }
0x72: {  	_ =	shalt  }
0x73: {  	_ =	shalt  }
0x74: {  	_ =	shalt  }
0x75: {  	_ =	shalt  }
0x76: {  	_ =	shalt  }
0x77: {  	_ =	shalt  }
0x78: {  	_ =	shalt  }
0x79: {  	_ =	shalt  }
0x7a: {  	_ =	shalt  }
0x7b: {  	_ =	shalt  }
0x7c: {  	_ =	shalt  }
0x7d: {  	_ =	shalt  }
0x7e: {  	_ =	shalt  }
0x7f: {  	_ =	shalt  }
0x80: {  	_ =	shalt  }
0x81: {  	_ =	shalt  }
0x82: {  	_ =	shalt  }
0x83: {  	_ =	shalt  }
0x84: {  	_ =	shalt  }
0x85: {  	_ =	shalt  }
0x86: {  	_ =	shalt  }
0x87: {  	_ =	shalt  }
.Lfunc_end0:
.L_simem_size_0:
called_computation_lowered:
.L_overlay_start_0:
0x88: {  	s0 =	sld [smem:$0x3FD9]  }
0x89: {  	s1 =	sld [smem:$0x3FFE];
	_ =	sdelay $0x3  }
0x8a: {  	s0 =	sadd.s32 s1, s0  }
0x8b: {  	[smem:$0x3FC6] =	sst s0  }
0x8c: {  	_ = 	snop  }
0x8d: {  	s0 =	sld [smem:$0x3FD0];
	(tm) =	ssettm $0x1  }
0x8e: {  	s16 =	sld [smem:$0x3FFB];
	_ =	sdelay $0x3  }
0x8f: {  	_ =	strace s16  }
0x90: {  	s1 =	sld [smem:$0x3FFC];
	_ =	sdelay $0x3  }
0x91: {  	_ =	strace s1  }
0x92: {  	s1 =	sld [smem:$0x3FFD];
	_ =	sdelay $0x3  }
0x93: {  	_ =	strace s1  }
0x94: {  	_ =	strace $0x8FFFFFFF  }
0x95: {  	s17 =	sld [smem:$0x3FDB];
	_ =	sdelay $0x1  }
0x96: {  	s2 =	simm.s32 $_scs_section_size  }
0x97: {  	s3 =	simm.s32 $_size__tile_overlayer_lowered;
	s4 =	simm.s32 $_tile_overlayer_lowered  }
0x98: {  	s20 =	simm.s32 $0x1BFF;
	s19 =	sshll.u32 s4, $0x1;
	s1 =	sadd.s32 s2, s17  }
0x99: {  	s5 =	simm.s32 $0x0;
	s18 =	sshll.u32 s3, $0x1;
	s3 =	sadd.s32 s19, s1  }
0x9a: {  	[timem:s5], [sflag:s20] =	dma.local [hbm:s3], s18  }
0x9b: {  	_ =	swait.ge [sflag:s20], s18  }
0x9c: {  	s2 =	ssub.s32 $0x0, s18;
	[sflag:s20] =	ssyncset.done $0x0  }
0x9d: {  	[sflag:s20] =	ssyncadd.s32 s2;
	_ =	sdelay $0x1  }
0x9e: {  	s21 =	simm.s32 $0x1B8B  }
0x9f: {  	_ =	swait.ge [sflag:s21], $0x1  }
0xa0: {  	[sflag:s21] =	ssyncset.done $0x0  }
0xa1: {  	s23 =	simm.s32 $0x1B8E;
	s22 =	sld [smem:$0x3FFE];
	[sflag:s21] =	ssyncadd.s32 $0xFFFFFFFF  }
0xa2: {  	s24 =	simm.s32 $execute0_lowered;
	[smem:$0x3FD2] =	sst s23  }
0xa3: {  	s3 =	sshll.u32 s24, $0x1;
	_ =	strace $0x80000046;
	[dreg:$0x1] =	wrdreg $0xFFFFFFFF  }
0xa4: {  	s25 =	simm.s32 $_size_execute0_lowered;
	s1 =	sadd.s32 s1, s3;
	[dreg:$0x0] =	wrdreg $0x0  }
0xa5: {  	s3 =	sshll.u32 s25, $0x1;
	[dreg:$0x2] =	wrdreg s1  }
0xa6: {  	[dreg:$0x3] =	wrdreg s3  }
0xa7: {  	[dreg:$0x4] =	wrdreg $0xC0  }
0xa8: {  	_ =	task [dreg:s5], $0x5FFFF  }
0xa9: {  	[dreg:$0x1] =	wrdreg $0xFFFFFFFF  }
0xaa: {  	[dreg:$0x0] =	wrdreg $0x60  }
0xab: {  	[dreg:$0x2] =	wrdreg s22  }
0xac: {  	[dreg:$0x3] =	wrdreg s0  }
0xad: {  	[dreg:$0x4] =	wrdreg $0x9  }
0xae: {  	_ =	task.clear_ibuf [dreg:s5], $0x5FFFF;
	_ =	strace $0x90000046  }
0xaf: {  	s26 =	simm.s32 $0x9;
	_ =	strace $0x80000048  }
0xb0: {  	_ =	swait.ge [sflag:s26], $0x1  }
0xb1: {  	[sflag:s26] =	ssyncadd.s32 $0xFFFFFFFF  }
0xb2: {  	_ =	strace $0x90000048  }
0xb3: {  	_ =	sfence  }
0xb4: {  	s28 =	sld [smem:$0x0];
	_ =	sdelay $0x1  }
0xb5: {  	s29 =	srdreg.scid  }
0xb6: {  	s30 =	sshll.u32 s29, $0xD;
	s31 =	sshrl.u32 s29, $0x2  }
0xb7: {  	s2 =	sand.u32 $0x4000, s30;
	s1 =	sand.u32 $0x1, s29;
	s0 =	sadd.s32 s31, s28  }
0xb8: {  	s1 =	sor.u32 s2, s1;
	s0 =	sshll.u32 s0, $0x11  }
0xb9: {  	s0 =	sor.u32 s0, s1  }
0xba: {  	s0 =	sadd.s32 $0x8F2B, s0  }
0xbb: {  	[sflag:s0] =	ssyncadd.remote.s32 $0x1  }
0xbc: {  	_ =	sfence.sel $0xFFFF  }
0xbd: {  	[dreg:$0x0] =	wrdreg $0xFFFFFFFF;
	(pc) =	sbr.abs _section_cstart, $3  }
0xbe: {  	[dreg:$0x1] =	wrdreg $0xFFFFFFFF  }
0xbf: {  	_ =	task.clear_ibuf [dreg:s5], $0x2FFFF;
	_ =	strace $0x9FFFFFFF  }
0xc0: {  	(tm) =	ssettm $0x7FFFFFFF  }
0xc1: {  	_ =	shalt  }
tec
execute0_lowered:
.L_overlay_start_1:
0x0: {  	(tag) =	ssettag $0x1  }
0x1: {  	s0 =	stileid.u32  }
0x2: {  	s1 =	smin.u32 s0, $0x9  }
0x3: {  	s1 =	sadd.s32 s0, s1  }
0x4: {  	s2 =	simm.s32 $0x190;
	p0 =	slt.u32 s0, $0x9;
	s1 =	smul.u32 $0xC8, s1  }
0x5: {  	s2 =	simm.s32 @!p0 $0xC8  }
0x6: {  	s2 =	sadd.s32 s2, s1  }
0x7: {  	s3 =	smin.u32 s2, $0x1388  }
0x8: {  	s7 =	ssub.s32 s3, s1  }
0x9: {  	p0 =	sgt.s32 s7, $0x0  }
0xa: {  	s7 =	simm.s32 @!p0 $0x0  }
0xb: {  	s31 =	sand.u32 $0xFFF8, s7  }
0xc: {  	s2 =	sshrl.u32 s31, $0x3  }
0xd: {  	s4 =	rddreg [dreg:$0x0];
	s2 =	smul.u32 $0x147B, s2  }
0xe: {  	s5 =	rddreg [dreg:$0x1]  }
0xf: {  	s6 =	simm.s32 $0x1;
	s10 =	simm.s32 $0x3;
	s8 =	sshrl.u32 s2, $0x11  }
0x10: {  	s13 =	simm.s32 $0x0;
	s12 =	simm.s32 $0x0;
	s9 =	smul.u32 $0xC8, s8  }
.Ltmp0:
0x11: {  	s11 =	smov.u32 s1;
	s2 =	rddreg [dreg:$0x2];
	(pc) =	sbr.rel .LBB2_1-.Ltmp0, $4  }
0x12: {  	_ =	strace $0x80000047;
	p0 =	sne.s32 s7, s9;
	s9 =	simm.s32 $0x1  }
0x13: {  	[sflag:s6] =	ssyncpa.u1 $0x0;
	s7 =	simm.s32 $0x2;
	s9 =	simm.s32 @!p0 $0x0  }
0x14: {  	[sflag:s7] =	ssyncpa.u1 $0x0;
	p0 =	por $0x0, $0x0;
	s8 =	sadd.s32 s8, s9  }
0x15: {  	vm0 =	vmmov $0xff;
	vm1 =	vcmask $0x3F20;
	s9 =	sadd.s32 $0x4E200, s4;
	[sflag:s10] =	ssyncpa.u1 $0x0;
	s10 =	sadd.s32 $0x1, s8  }
.LBB2_6:
0x16: {  	[hbm:s17] =	stream.linear.scatter [tilespmem:s14], [sflag:$0x3], $0x400, $0x38;
	[tilespmem:$0xC990] =	vst v63  }
.LBB2_7:
0x17: {  	s13 =	sadd.s32 $0xC8, s11  }
0x18: {  	s15 =	smov.u32 s1;
	p2 =	slt.s32 s13, s3  }
0x19: {  	s15 =	smov.u32 @p2 s13;
	p2 =	sne.s32 s12, s10  }
.Ltmp1:
0x1a: {  	p1 =	slt.u32 s12, $0x2;
	(pc) =	sbr.rel @!p2 .LBB2_8-.Ltmp1, $4  }
0x1b: {  	s14 =	simm.s32 @!p1 $0x3  }
0x1c: {  	s16 =	sadd.s32 $0x1, s12;
	_ =	swait.ge @!p1 [sflag:s14], $0x6400  }
0x1d: {  	p0 =	por !p0, !p0;
	s13 =	smov.u32 s11;
	[sflag:s14] =	ssyncset.done @!p1 $0x0  }
0x1e: {  	s12 =	smov.u32 s16;
	s11 =	smov.u32 s15;
	[sflag:s14] =	ssyncadd.s32 @!p1 $0xFFFF9C00  }
.LBB2_1:
0x1f: {  	p1 =	sge.u32 s12, s8  }
0x20: {  	s14 =	sxor.u32 @!p1 $0xFFFFFFFF, s12  }
0x21: {  	s14 =	sand.u32 @!p1 $0x1, s14  }
0x22: {  	s14 =	smul.u32 @!p1 $0x320, s14  }
0x23: {  	s31 =	sadd.s32 $0xFFFFFFFF, s12;
	s15 =	sshrl.u32 @!p1 s11, $0x3  }
0x24: {  	s16 =	sand.u32 @!p1 $0x7, s11;
	s15 =	sadd.s32 @!p1 s5, s15;
	s14 =	sshrl.u32 @!p1 s14, $0x2  }
0x25: {  	[tilespmem:s14], [sflag:$0x2] =	stream.linear.gather @!p1 [hbm4b:s15+s16], $0xC8, $0x38;
	[tilespmem:$0xC990] =	vst v63  }
0x26: {  	p1 =	sge.u32 s31, s8  }
.Ltmp2:
0x27: {  	_ = 	snop;
	(pc) =	sbr.rel @p1 .LBB2_7-.Ltmp2, $1  }
0x28: {  	_ =	sdelay $0x3  }
0x29: {  	s14 =	simm.s32 $0x1  }
0x2a: {  	s14 =	simm.s32 @!p0 $0x0  }
0x2b: {  	s15 =	smul.u32 $0x320, s14  }
0x2c: {  	_ =	swait.ge [sflag:s7], $0xC8  }
0x2d: {  	[sflag:s7] =	ssyncset.done $0x0;
	s16 =	sshrl.u32 s15, $0x2  }
0x2e: {  	[sflag:s7] =	ssyncadd.s32 $0xFFFFFF38;
	s15 =	sadd.s32 $0x0, s16  }
0x2f: {  	v0 =	vld.msk [tilespmem:s15+$0x0 ss:$0x1], $0xffff;
	_ =	sdelay $0x4  }
0x30: {  	vm2 =	vgt.s32 v0, $0x0  }
0x31: {  	v0 =	vnsel vm2, $0x0, v0  }
0x32: {  	v0 =	vmin.u32 v0, $0x4E1F  }
0x33: {  	v0 =	vshll.u32 v0, $0x4  }
0x34: {  	s14 =	smul.u32 $0x19000, s14  }
0x35: {  	s31 =	sand.u32 $0x1, s12  }
0x36: {  	s17 =	smul.u32 $0x320, s31;
	s14 =	sshrl.u32 s14, $0x2  }
0x37: {  	s19 =	smul.u32 $0x19000, s31;
	s14 =	sor.u32 $0x190, s14  }
0x38: {  	[tilespmem:s14], [sflag:$0x1] =	stream.indirect_vreg.gather [hbm:s4], $0x80, v0, vm0, $0x38;
	[tilespmem:$0xC990] =	vst v63  }
0x39: {  	s18 =	sshrl.u32 s17, $0x2;
	s20 =	sadd.s32 $0x10, s16;
	s15 =	sadd.s32 $0x400, s14  }
0x3a: {  	[tilespmem:s15], [sflag:$0x1] =	stream.indirect_vreg.gather [hbm:s4], $0x80, v0, vm1, $0x38;
	[tilespmem:$0xC990] =	vst v63  }
0x3b: {  	s17 =	sshrl.u32 s19, $0x2;
	s19 =	smov.u32 s14;
	v0 =	vld.msk [tilespmem:s20+$0x0 ss:$0x1], $0xffff;
	s20 =	simm.s32 $0x80  }
.LBB2_3:
0x3c: {  	p1 =	sne.s32 s20, $0x2C0;
	_ =	sdelay $0x4  }
0x3d: {  	vm2 =	vgt.s32 v0, $0x0  }
0x3e: {  	v0 =	vnsel vm2, $0x0, v0  }
0x3f: {  	v0 =	vmin.u32 v0, $0x4E1F  }
0x40: {  	v0 =	vshll.u32 v0, $0x4;
	_ =	sdelay $0x3  }
.Ltmp3:
0x41: {  	s21 =	sshra.s32 s20, $0x2;
	s19 =	sadd.s32 $0x800, s19;
	(pc) =	sbr.rel @p1 .LBB2_3-.Ltmp3, $4  }
0x42: {  	[tilespmem:s19], [sflag:$0x1] =	stream.indirect_vreg.gather [hbm:s4], $0x80, v0, vm0, $0x38;
	[tilespmem:$0xC990] =	vst v63  }
0x43: {  	s21 =	sadd.s32 s21, s16;
	s22 =	sadd.s32 $0x400, s19  }
0x44: {  	[tilespmem:s22], [sflag:$0x1] =	stream.indirect_vreg.gather [hbm:s4], $0x80, v0, vm1, $0x38;
	[tilespmem:$0xC990] =	vst v63  }
0x45: {  	s20 =	sadd.s32 $0x40, s20;
	v0 =	vld.msk [tilespmem:s21+$0x0 ss:$0x1], $0xffff  }
0x46: {  	_ =	sdelay $0x3  }
0x47: {  	vm2 =	vgt.s32 v0, $0x0  }
0x48: {  	v0 =	vnsel vm2, $0x0, v0  }
0x49: {  	v0 =	vmin.u32 v0, $0x4E1F  }
0x4a: {  	v0 =	vshll.u32 v0, $0x4;
	_ =	sdelay $0x3  }
0x4b: {  	s16 =	sadd.s32 $0x800, s19  }
0x4c: {  	[tilespmem:s16], [sflag:$0x1] =	stream.indirect_vreg.gather [hbm:s4], $0x80, v0, vm0, $0x38;
	[tilespmem:$0xC990] =	vst v63  }
0x4d: {  	s16 =	sadd.s32 $0x400, s16  }
0x4e: {  	[tilespmem:s16], [sflag:$0x1] =	stream.indirect_vreg.gather [hbm:s4], $0x80, v0, vm1, $0x38;
	[tilespmem:$0xC990] =	vst v63  }
0x4f: {  	v0 =	vld.msk [tilespmem:s18+$0xC0 ss:$0x1], $0xff;
	_ =	sdelay $0x4  }
0x50: {  	vm2 =	vgt.s32 v0, $0x0  }
0x51: {  	v0 =	vnsel vm2, $0x0, v0  }
0x52: {  	v0 =	vmin.u32 v0, $0x4E1F  }
0x53: {  	v0 =	vshll.u32 v0, $0x4;
	_ =	sdelay $0x3  }
0x54: {  	s31 =	sadd.s32 $0x6190, s17  }
0x55: {  	[tilespmem:s31], [sflag:$0x1] =	stream.indirect_vreg.gather [hbm:s4], $0x80, v0, vm0, $0x38;
	[tilespmem:$0xC990] =	vst v63  }
0x56: {  	s13 =	sshll.u32 s13, $0x4;
	_ =	swait.ge [sflag:s6], $0x6400  }
0x57: {  	s13 =	sadd.s32 s13, s9;
	[sflag:s6] =	ssyncset.done $0x0  }
0x58: {  	s17 =	sadd.s32 $0x0, s13;
	s16 =	simm.s32 $0x80;
	[sflag:s6] =	ssyncadd.s32 $0xFFFF9C00  }
.LBB2_5:
0x59: {  	[hbm:s17] =	stream.linear.scatter [tilespmem:s14], [sflag:$0x3], $0x400, $0x38;
	[tilespmem:$0xC990] =	vst v63  }
0x5a: {  	s17 =	smov.u32 s16;
	s14 =	smov.u32 s15;
	p1 =	sne.s32 s16, $0xC00  }
.Ltmp4:
0x5b: {  	s16 =	sadd.s32 $0x80, s16;
	(pc) =	sbr.rel @p1 .LBB2_5-.Ltmp4, $2  }
0x5c: {  	_ =	sdelay $0x2  }
0x5d: {  	s15 =	sadd.s32 $0x400, s15;
	s17 =	sadd.s32 s17, s13  }
.Ltmp5:
0x5e: {  	_ = 	snop;
	(pc) =	sbr.rel .LBB2_6-.Ltmp5, $1  }
0x5f: {  	_ =	sdelay $0x3  }
.LBB2_8:
0x60: {  	_ =	sfence.sel $0x180000  }
0x61: {  	s1 =	simm.s32 $0x2;
	[bflag:$0x0] =	sbarrier.arrive $0xFFFF  }
0x62: {  	s30 =	simm.s32 $0x3;
	[sflag:s1] =	ssyncpa.u1 $0x1  }
0x63: {  	s31 =	simm.s32 $0x1;
	[sflag:s30] =	ssyncpa.u1 $0x1  }
0x64: {  	[sflag:s31] =	ssyncpa.u1 $0x1  }
0x65: {  	p0 =	sne.s32 s0, $0x0;
	_ =	strace $0x90000047  }
0x66: {  	s0 =	sadd.s32 @!p0 $0x100000, s2;
	[bflag:$0x2] =	sbarrier.arrive $0xFFFF  }
0x67: {  	[sflag:s0] =	ssyncadd.tile.s32 @!p0 $0x1;
	_ =	shalt  }
.Lfunc_end2:
_tile_overlayer_lowered:
.L_overlay_start_2:
0x68: {  	(tag) =	ssettag $0x2  }
0x69: {  	s0 =	rddreg [dreg:$0x0];
	s2 =	stileid.u32  }
0x6a: {  	s1 =	rddreg [dreg:$0x1];
	p0 =	sne.s32 s2, $0x0  }
0x6b: {  	s3 =	rddreg [dreg:$0x2];
	[bflag:$0x3] =	sbarrier.arrive $0xFFFF;
	s2 =	simm.s32 @!p0 $0x1C01  }
0x6c: {  	[timem:s3], [sflag:s2] =	dma.local @!p0 [hbm:s0], s1  }
0x6d: {  	s0 =	simm.s32 @!p0 $0x1  }
0x6e: {  	_ =	swait.ge @!p0 [sflag:s0], s1  }
0x6f: {  	s1 =	ssub.s32 @!p0 $0x0, s1;
	[sflag:s0] =	ssyncset.done @!p0 $0x0  }
0x70: {  	[sflag:s0] =	ssyncadd.s32 @!p0 s1  }
0x71: {  	[bflag:$0x3] =	sbarrier.arrive $0xFFFF  }
0x72: {  	_ =	shalt  }

</sc_bundles>
